<compile_context>
chip_gen: v7x
topology: tpu7x:2x2x1
jax: 0.10.2.dev20260603
libtpu: 0.0.44.dev20260713+nightly
codegen_flags: <defaults>
</compile_context>

<pallas_src>
import functools

import jax
import jax.numpy as jnp
from jax import lax
from jax.experimental import pallas as pl
from jax.experimental.pallas import tpu as pltpu
from jax.experimental.pallas import tpu_sc as plsc

N = 8192
K = 9
D_TBL = 256
KNN_R = 256
MLP_NB = 512

_NC, _NS = 2, 16
_NW = _NC * _NS
_GCH = 128


def _leaky(x):
    return jnp.where(x > 0, x, 0.1 * x)


def _knn_body(xb_ref, xt_ref, out_ref):
    xb = xb_ref[...]
    xt = xt_ref[...]
    dot = jnp.dot(xb, xt, preferred_element_type=jnp.float32)
    sqr = jnp.sum(xb * xb, axis=1, keepdims=True)
    sqc = jnp.sum(xt * xt, axis=0, keepdims=True)
    d = -2.0 * dot + sqr + sqc
    fio = lax.broadcasted_iota(jnp.int32, (KNN_R, N), 1).astype(jnp.float32)
    cols = []
    for _ in range(K):
        m = jnp.min(d, axis=1, keepdims=True)
        cand = jnp.min(jnp.where(d <= m, fio, jnp.float32(N)), axis=1,
                       keepdims=True)
        cols.append(cand)
        d = jnp.where(fio == cand, jnp.float32(jnp.inf), d)
    idx = jnp.concatenate(cols, axis=1).astype(jnp.int32)
    out_ref[...] = jnp.concatenate(
        [idx, jnp.zeros((KNN_R, 16 - K), jnp.int32)], axis=1)


def _knn(xyzT8_rows, x8T):
    nr = xyzT8_rows.shape[0]
    return pl.pallas_call(
        _knn_body,
        grid=(nr // KNN_R,),
        in_specs=[
            pl.BlockSpec((KNN_R, 8), lambda i: (i, 0)),
            pl.BlockSpec((8, N), lambda i: (0, 0)),
        ],
        out_specs=pl.BlockSpec((KNN_R, 16), lambda i: (i, 0)),
        out_shape=jax.ShapeDtypeStruct((nr, 16), jnp.int32),
        compiler_params=pltpu.CompilerParams(
            dimension_semantics=("parallel",)),
    )(xyzT8_rows, x8T)


def _sc_gather(table, idx_flat):
    b_total = idx_flat.shape[0]
    b_per_w = b_total // _NW
    n_ch = b_per_w // _GCH
    mesh = plsc.VectorSubcoreMesh(core_axis_name="c", subcore_axis_name="s")

    @functools.partial(
        pl.kernel,
        mesh=mesh,
        out_type=jax.ShapeDtypeStruct((b_total, D_TBL), jnp.float32),
        scratch_types=[
            pltpu.VMEM((_GCH,), jnp.int32),
            pltpu.VMEM((_GCH, D_TBL), jnp.float32),
            pltpu.SemaphoreType.DMA,
        ],
    )
    def gk(table_hbm, idx_hbm, out_hbm, idx_v, rows_v, sem):
        wid = lax.axis_index("s") * _NC + lax.axis_index("c")
        base = wid * b_per_w

        @pl.loop(0, n_ch)
        def _(c):
            off = base + c * _GCH
            pltpu.sync_copy(idx_hbm.at[pl.ds(off, _GCH)], idx_v)
            pltpu.async_copy(table_hbm.at[idx_v], rows_v, sem).wait()
            pltpu.sync_copy(rows_v, out_hbm.at[pl.ds(off, _GCH)])

    return gk(table, idx_flat)


def _mlp_body(g_ref, p1_ref, x_ref, uf_ref,
              wr_ref, wz_ref, wh_ref, wdr_ref, wdz_ref, wdh_ref,
              wr1_ref, wfro_ref, wfr_ref, wfz_ref, wz1_ref, wh1_ref, wfc_ref,
              br0_ref, br1_ref, bz0_ref, bz1_ref, bh0_ref, bh1_ref, bfc_ref,
              feats_ref, flow_ref):
    f32 = jnp.float32
    dot = lambda a, b: jnp.dot(a, b, preferred_element_type=f32)
    p1 = p1_ref[...]
    xb = x_ref[...]
    fr = dot(p1, wfr_ref[...])
    fz = dot(p1, wfz_ref[...])
    cr = dot(xb, wdr_ref[...])
    cz = dot(xb, wdz_ref[...])
    ch = dot(xb, wdh_ref[...])
    gall = g_ref[...].reshape(K * MLP_NB, D_TBL)
    aR = dot(gall, wr_ref[...]).reshape(K, MLP_NB, 64)
    aZ = dot(gall, wz_ref[...]).reshape(K, MLP_NB, 64)
    aH = dot(gall, wh_ref[...]).reshape(K, MLP_NB, 64)
    r = _leaky(aR + (fr - cr + br0_ref[...])[None])
    r = jax.nn.sigmoid(
        dot(r.reshape(K * MLP_NB, 64), wr1_ref[...]).reshape(K, MLP_NB, 64)
        + br1_ref[...][None])
    p1e = dot((r * p1[None]).reshape(K * MLP_NB, 64),
              wfro_ref[...]).reshape(K, MLP_NB, 64)
    h = _leaky(aH + (bh0_ref[...] - ch)[None] + p1e)
    hmax = jnp.max(h, axis=0)
    z = _leaky(aZ + (fz - cz + bz0_ref[...])[None])
    zmax = jnp.max(z, axis=0)
    z = jax.nn.sigmoid(dot(zmax, wz1_ref[...]) + bz1_ref[...])
    h = jnp.tanh(dot(hmax, wh1_ref[...]) + bh1_ref[...])
    feats = (1.0 - z) * p1 + z * h
    feats_ref[...] = feats
    fl = jnp.clip(dot(feats - p1, wfc_ref[...]) + bfc_ref[...], -200.0, 200.0)
    flow_ref[...] = fl + uf_ref[...]


def _mlp(g3, p1T, xyzT8, upfT8, weights):
    nr = p1T.shape[0]
    nblk = nr // MLP_NB
    full = lambda shape: pl.BlockSpec(shape, lambda i: tuple(0 for _ in shape))
    in_specs = [
        pl.BlockSpec((K, MLP_NB, D_TBL), lambda i: (0, i, 0)),
        pl.BlockSpec((MLP_NB, 64), lambda i: (i, 0)),
        pl.BlockSpec((MLP_NB, 8), lambda i: (i, 0)),
        pl.BlockSpec((MLP_NB, 8), lambda i: (i, 0)),
    ] + [full(w.shape) for w in weights]
    return pl.pallas_call(
        _mlp_body,
        grid=(nblk,),
        in_specs=in_specs,
        out_specs=[
            pl.BlockSpec((MLP_NB, 64), lambda i: (i, 0)),
            pl.BlockSpec((MLP_NB, 8), lambda i: (i, 0)),
        ],
        out_shape=[
            jax.ShapeDtypeStruct((nr, 64), jnp.float32),
            jax.ShapeDtypeStruct((nr, 8), jnp.float32),
        ],
        compiler_params=pltpu.CompilerParams(
            dimension_semantics=("parallel",)),
    )(g3, p1T, xyzT8, upfT8, *weights)


def kernel(pc1, pc2, feat1_new, feat2_new, feat1, feat2, up_flow, up_feat,
           W_r0, b_r0, W_r1, b_r1, W_z0, b_z0, W_z1, b_z1, W_h0, b_h0,
           W_h1, b_h1, Wfr, Wfro, Wfz, W_fc, b_fc):
    xyz = pc1[0].T
    xyzT8 = jnp.pad(xyz, ((0, 0), (0, 5)))
    x8T = xyzT8.T

    table = jnp.concatenate(
        [feat1[0].T, feat1_new[0].T, xyz,
         jnp.zeros((N, D_TBL - 131), jnp.float32)], axis=1)

    S = 2
    H = N // S
    idx16s = [_knn(xyzT8[s * H:(s + 1) * H], x8T) for s in range(S)]
    gs = [
        _sc_gather(table, ix[:, :K].T.reshape(-1)).reshape(K, H, D_TBL)
        for ix in idx16s
    ]

    p1T = up_feat[0].T
    upfT8 = jnp.pad(up_flow[0].T, ((0, 0), (0, 5)))

    pad13 = lambda w: jnp.pad(w.T, ((0, D_TBL - 131), (0, 0)))
    pad_d = lambda w: jnp.pad(w[:, 128:131].T, ((0, 5), (0, 0)))
    weights = [
        pad13(W_r0), pad13(W_z0), pad13(W_h0),
        pad_d(W_r0), pad_d(W_z0), pad_d(W_h0),
        W_r1.T, Wfro.T, Wfr.T, Wfz.T, W_z1.T, W_h1.T,
        jnp.pad(W_fc.T, ((0, 0), (0, 5))),
        b_r0.reshape(1, 64), b_r1.reshape(1, 64),
        b_z0.reshape(1, 64), b_z1.reshape(1, 64),
        b_h0.reshape(1, 64), b_h1.reshape(1, 64),
        jnp.pad(b_fc, (0, 5)).reshape(1, 8),
    ]
    outs = [
        _mlp(gs[s], p1T[s * H:(s + 1) * H], xyzT8[s * H:(s + 1) * H],
             upfT8[s * H:(s + 1) * H], weights)
        for s in range(S)
    ]

    feats = jnp.concatenate([o[0] for o in outs], axis=0)
    flow8 = jnp.concatenate([o[1] for o in outs], axis=0)
    feats_new = feats.T[None]
    flow = flow8[:, :3].T[None]
    return (feats_new, flow)

# --- scband reference (transcript-rebuilt; emitter-appended) ---
"""Pipeline reference for scband-recurrent-unit-13520557048081 (READ-ONLY COPY).

The authoritative reference and input builder live on the scoring server;
editing this copy changes nothing except your own understanding.
"""

import jax, jax.numpy as jnp
import numpy as np


def _leaky(x):
    return jnp.where(x > 0, x, 0.1 * x)


def _c2d(x, W, b=None):
    y = jnp.einsum('oc,bckn->bokn', W, x)
    if b is not None:
        y = y + b[None, :, None, None]
    return y


def _c1d(x, W, b=None):
    y = jnp.einsum('oc,bcn->bon', W, x)
    if b is not None:
        y = y + b[None, :, None]
    return y


def _core(pc1, feat1, feat1_new, up_flow, up_feat, W_r0, b_r0, W_r1, b_r1, W_z0, b_z0, W_z1, b_z1, W_h0, b_h0, W_h1, b_h1, Wfr, Wfro, Wfz, W_fc, b_fc):
    K = 9
    # cost volume proxy: concat of feat1 and feat1_new (128 channels), as in RecurrentUnit's c_feat1
    cost = jnp.concatenate([feat1, feat1_new], axis=1)
    xyz = jnp.transpose(pc1, (0, 2, 1))  # [B, N, 3]
    # square_distance(xyz1, xyz2) with xyz1 == xyz2 == xyz
    sq = jnp.sum(xyz * xyz, axis=-1)
    d = -2.0 * jnp.einsum('bnc,bmc->bnm', xyz, xyz) + sq[:, :, None] + sq[:, None, :]
    _, knn_idx = jax.lax.top_k(-d, K)  # smallest-K distances
    gather = jax.vmap(lambda pts, idx: pts[idx])
    neighbor_xyz = gather(xyz, knn_idx)  # [B, N, K, 3]
    direction = neighbor_xyz - xyz[:, :, None, :]
    grouped = gather(jnp.transpose(cost, (0, 2, 1)), knn_idx)  # [B, N, K, 128]
    newp = jnp.concatenate([grouped, direction], axis=-1)  # [B, N, K, 131]
    newp = jnp.transpose(newp, (0, 3, 2, 1))  # [B, 131, K, N]
    p1 = up_feat  # points1 (latent features), [B, 64, N]
    # r gate (mlp = [64, 64], LeakyReLU(0.1), sigmoid at the end)
    r = _c2d(newp, W_r0, b_r0)
    r = r + _c1d(p1, Wfr)[:, :, None, :]
    r = _leaky(r)
    r = jax.nn.sigmoid(_c2d(r, W_r1, b_r1))
    # z gate (max over neighbors at i == len-2)
    z = _c2d(newp, W_z0, b_z0)
    z = z + _c1d(p1, Wfz)[:, :, None, :]
    z = _leaky(z)
    z = jnp.max(z, axis=-2, keepdims=True)
    z = jax.nn.sigmoid(_c2d(z, W_z1, b_z1))
    z = jnp.squeeze(z, axis=-2)  # [B, 64, N]
    # h candidate
    p1e = _c2d(r * p1[:, :, None, :], Wfro)
    h = _c2d(newp, W_h0, b_h0)
    h = h + p1e
    h = _leaky(h)
    h = jnp.max(h, axis=-2, keepdims=True)
    h = jnp.tanh(_c2d(h, W_h1, b_h1))
    h = jnp.squeeze(h, axis=-2)  # [B, 64, N]
    feats_new = (1.0 - z) * p1 + z * h
    # SceneFlowGRUResidual tail
    flow_local = jnp.clip(_c1d(feats_new - up_feat, W_fc, b_fc), -200.0, 200.0)
    flow = flow_local + up_flow
    return feats_new, flow


def setup_inputs(seed: int = 0):
    key = jax.random.key(seed)

    def nrm(i, shape, s=1.0):
        return jax.random.normal(jax.random.fold_in(key, i), shape, dtype=jnp.float32) * s

    B, N = 1, 8192
    inp = {
        'pc1': nrm(0, (B, 3, N)),
        'pc2': nrm(1, (B, 3, N)),
        'feat1_new': nrm(2, (B, 64, N)),
        'feat2_new': nrm(3, (B, 64, N)),
        'feat1': nrm(4, (B, 64, N)),
        'feat2': nrm(5, (B, 64, N)),
        'up_flow': nrm(6, (B, 3, N)),
        'up_feat': nrm(7, (B, 64, N)),
        'W_r0': nrm(8, (64, 131), 0.05), 'b_r0': nrm(9, (64,), 0.05),
        'W_r1': nrm(10, (64, 64), 0.05), 'b_r1': nrm(11, (64,), 0.05),
        'W_z0': nrm(12, (64, 131), 0.05), 'b_z0': nrm(13, (64,), 0.05),
        'W_z1': nrm(14, (64, 64), 0.05), 'b_z1': nrm(15, (64,), 0.05),
        'W_h0': nrm(16, (64, 131), 0.05), 'b_h0': nrm(17, (64,), 0.05),
        'W_h1': nrm(18, (64, 64), 0.05), 'b_h1': nrm(19, (64,), 0.05),
        'Wfr': nrm(20, (64, 64), 0.05),
        'Wfro': nrm(21, (64, 64), 0.05),
        'Wfz': nrm(22, (64, 64), 0.05),
        'W_fc': nrm(23, (3, 64), 0.05), 'b_fc': nrm(24, (3,), 0.05),
    }
    return inp


def reference(pc1, pc2, feat1_new, feat2_new, feat1, feat2, up_flow, up_feat, W_r0, b_r0, W_r1, b_r1, W_z0, b_z0, W_z1, b_z1, W_h0, b_h0, W_h1, b_h1, Wfr, Wfro, Wfz, W_fc, b_fc):
    # Core runnable path of RecurrentUnit (one iteration of the GRU flow head):
    # the knn retrieval + GRUMappingNoGCN + SceneFlowGRUResidual residual flow.
    # pc2 / feat2 / feat2_new belong to the (undefined) bidirectional cost layers
    # and are unused in this faithful core translation.
    feats_new, flow = _core(pc1, feat1, feat1_new, up_flow, up_feat, W_r0, b_r0, W_r1, b_r1, W_z0, b_z0, W_z1, b_z1, W_h0, b_h0, W_h1, b_h1, Wfr, Wfro, Wfz, W_fc, b_fc)
    return (feats_new, flow)

if __name__ == "__main__":
    import jax
    _d = setup_inputs()
    print(jax.jit(kernel)(*tuple(_d.values())))

</pallas_src>

<mosaic_0001>
#map = affine_map<(d0, d1) -> (0, 0)>
#map1 = affine_map<(d0, d1) -> (0)>
module attributes {stable_mosaic.version = 14 : i64} {
  func.func @gk(%arg0: i32, %arg1: i32, %arg2: memref<8192x256xf32, #tpu.memory_space<hbm>>, %arg3: memref<36864xi32, #tpu.memory_space<hbm>>, %arg4: memref<36864x256xf32, #tpu.memory_space<hbm>>, %arg5: memref<128xi32, #tpu.memory_space<vmem>>, %arg6: memref<128x256xf32, #tpu.memory_space<vmem>>, %arg7: memref<!tpu.dma_semaphore, #tpu.memory_space<semaphore_mem>>) attributes {dimension_semantics = [#tpu.dimension_semantics<core_parallel>, #tpu.dimension_semantics<subcore_parallel>], iteration_bounds = array<i64: 2, 16>, scalar_prefetch = 0 : i64, scratch_operands = 3 : i64, tpu.core_type = #tpu.core_type<sc_vector_subcore>, window_params = [{transform_indices = #map}, {transform_indices = #map1}, {transform_indices = #map}]} {
    %mul3A = arith.constant 2 : i32
    %mul3A_0 = arith.muli %arg1, %mul3A : i32
    %add3A = arith.addi %mul3A_0, %arg0 : i32
    %mul3A_1 = arith.constant 1152 : i32
    %mul3A_2 = arith.muli %add3A, %mul3A_1 : i32
    %scan3A = arith.constant 0 : i32
    %scan3A_3 = arith.constant 9 : i32
    %scan3A_4 = arith.addi %scan3A, %scan3A_3 : i32
    %scan3A_5 = arith.constant 1 : i32
    scf.for %scan3A_7 = %scan3A to %scan3A_4 step %scan3A_5  : i32 {
      %mul3A_8 = arith.constant 1 : i32
      %mul3A_9 = arith.muli %scan3A_7, %mul3A_8 : i32
      %add3A_10 = arith.constant 0 : i32
      %add3A_11 = arith.addi %add3A_10, %mul3A_9 : i32
      %mul3A_12 = arith.constant 128 : i32
      %mul3A_13 = arith.muli %add3A_11, %mul3A_12 : i32
      %add3A_14 = arith.addi %mul3A_2, %mul3A_13 : i32
      "tpu.region"() ({
        %run_scoped3A = tpu.sem_alloc : memref<!tpu.dma_semaphore, #tpu.memory_space<semaphore_mem>>
        %dma_start3A_19 = tpu.memref_slice %arg3[%add3A_14] : memref<36864xi32, #tpu.memory_space<hbm>> -> memref<128xi32, #tpu.memory_space<hbm>>
        %dma_start3A_20 = tpu.memref_slice %arg3[%add3A_14] : memref<36864xi32, #tpu.memory_space<hbm>> -> memref<128xi32, #tpu.memory_space<hbm>>
        tpu.enqueue_dma source(%dma_start3A_20 : memref<128xi32, #tpu.memory_space<hbm>>) target(%arg5 : memref<128xi32, #tpu.memory_space<vmem>>) target_semaphore(%run_scoped3A : memref<!tpu.dma_semaphore, #tpu.memory_space<semaphore_mem>>)
        %dma_wait3A_21 = tpu.memref_slice %arg3[%add3A_14] : memref<36864xi32, #tpu.memory_space<hbm>> -> memref<128xi32, #tpu.memory_space<hbm>>
        %dma_wait3A_22 = tpu.memref_slice %arg3[%add3A_14] : memref<36864xi32, #tpu.memory_space<hbm>> -> memref<128xi32, #tpu.memory_space<hbm>>
        tpu.wait_dma2 semaphore(%run_scoped3A : memref<!tpu.dma_semaphore, #tpu.memory_space<semaphore_mem>>) src(%dma_wait3A_22 : memref<128xi32, #tpu.memory_space<hbm>>) dst(%arg5 : memref<128xi32, #tpu.memory_space<vmem>>)
        tpu.yield
      }) : () -> ()
      %dma_start3A = arith.constant 0 : i32
      %dma_start3A_15 = arith.constant 0 : i32
      %dma_start3A_16 = tpu.memref_slice %arg2[%dma_start3A, %dma_start3A_15] : memref<8192x256xf32, #tpu.memory_space<hbm>> -> memref<8192x256xf32, #tpu.memory_space<hbm>>
      tpu.enqueue_indirect_dma source(%dma_start3A_16 : memref<8192x256xf32, #tpu.memory_space<hbm>>) target(%arg6 : memref<128x256xf32, #tpu.memory_space<vmem>>) offsets(%arg5 : memref<128xi32, #tpu.memory_space<vmem>>) semaphore(%arg7 : memref<!tpu.dma_semaphore, #tpu.memory_space<semaphore_mem>>)
      %dma_wait3A = arith.constant 0 : i32
      %dma_wait3A_17 = arith.constant 0 : i32
      %dma_wait3A_18 = tpu.memref_slice %arg2[%dma_wait3A, %dma_wait3A_17] : memref<8192x256xf32, #tpu.memory_space<hbm>> -> memref<8192x256xf32, #tpu.memory_space<hbm>>
      tpu.wait_indirect_dma semaphore(%arg7 : memref<!tpu.dma_semaphore, #tpu.memory_space<semaphore_mem>>) src(%dma_wait3A_18 : memref<8192x256xf32, #tpu.memory_space<hbm>>) dst(%arg6 : memref<128x256xf32, #tpu.memory_space<vmem>>)
      "tpu.region"() ({
        %run_scoped3A = tpu.sem_alloc : memref<!tpu.dma_semaphore, #tpu.memory_space<semaphore_mem>>
        %dma_start3A_19 = arith.constant 0 : i32
        %dma_start3A_20 = tpu.memref_slice %arg4[%add3A_14, %dma_start3A_19] : memref<36864x256xf32, #tpu.memory_space<hbm>> -> memref<128x256xf32, #tpu.memory_space<hbm>>
        %dma_start3A_21 = arith.constant 0 : i32
        %dma_start3A_22 = tpu.memref_slice %arg4[%add3A_14, %dma_start3A_21] : memref<36864x256xf32, #tpu.memory_space<hbm>> -> memref<128x256xf32, #tpu.memory_space<hbm>>
        tpu.enqueue_dma source(%arg6 : memref<128x256xf32, #tpu.memory_space<vmem>>) target(%dma_start3A_22 : memref<128x256xf32, #tpu.memory_space<hbm>>) target_semaphore(%run_scoped3A : memref<!tpu.dma_semaphore, #tpu.memory_space<semaphore_mem>>)
        %dma_wait3A_23 = arith.constant 0 : i32
        %dma_wait3A_24 = tpu.memref_slice %arg4[%add3A_14, %dma_wait3A_23] : memref<36864x256xf32, #tpu.memory_space<hbm>> -> memref<128x256xf32, #tpu.memory_space<hbm>>
        %dma_wait3A_25 = arith.constant 0 : i32
        %dma_wait3A_26 = tpu.memref_slice %arg4[%add3A_14, %dma_wait3A_25] : memref<36864x256xf32, #tpu.memory_space<hbm>> -> memref<128x256xf32, #tpu.memory_space<hbm>>
        tpu.wait_dma2 semaphore(%run_scoped3A : memref<!tpu.dma_semaphore, #tpu.memory_space<semaphore_mem>>) src(%arg6 : memref<128x256xf32, #tpu.memory_space<vmem>>) dst(%dma_wait3A_26 : memref<128x256xf32, #tpu.memory_space<hbm>>)
        tpu.yield
      }) : () -> ()
    }
    %scan3A_6 = arith.constant 9 : i32
    return
  }
}

#map = affine_map<(d0, d1) -> (0, 0)>
#map1 = affine_map<(d0, d1) -> (0)>
module attributes {stable_mosaic.version = 14 : i64} {
  func.func @gk(%arg0: i32, %arg1: i32, %arg2: memref<8192x256xf32, #tpu.memory_space<hbm>>, %arg3: memref<36864xi32, #tpu.memory_space<hbm>>, %arg4: memref<36864x256xf32, #tpu.memory_space<hbm>>, %arg5: memref<128xi32, #tpu.memory_space<vmem>>, %arg6: memref<128x256xf32, #tpu.memory_space<vmem>>, %arg7: memref<!tpu.dma_semaphore, #tpu.memory_space<semaphore_mem>>) attributes {dimension_semantics = [#tpu.dimension_semantics<core_parallel>, #tpu.dimension_semantics<subcore_parallel>], iteration_bounds = array<i64: 2, 16>, scalar_prefetch = 0 : i64, scratch_operands = 3 : i64, tpu.core_type = #tpu.core_type<sc_vector_subcore>, window_params = [{transform_indices = #map}, {transform_indices = #map1}, {transform_indices = #map}]} {
    %mul3A = arith.constant 2 : i32
    %mul3A_0 = arith.muli %arg1, %mul3A : i32
    %add3A = arith.addi %mul3A_0, %arg0 : i32
    %mul3A_1 = arith.constant 1152 : i32
    %mul3A_2 = arith.muli %add3A, %mul3A_1 : i32
    %scan3A = arith.constant 0 : i32
    %scan3A_3 = arith.constant 9 : i32
    %scan3A_4 = arith.addi %scan3A, %scan3A_3 : i32
    %scan3A_5 = arith.constant 1 : i32
    scf.for %scan3A_7 = %scan3A to %scan3A_4 step %scan3A_5  : i32 {
      %mul3A_8 = arith.constant 1 : i32
      %mul3A_9 = arith.muli %scan3A_7, %mul3A_8 : i32
      %add3A_10 = arith.constant 0 : i32
      %add3A_11 = arith.addi %add3A_10, %mul3A_9 : i32
      %mul3A_12 = arith.constant 128 : i32
      %mul3A_13 = arith.muli %add3A_11, %mul3A_12 : i32
      %add3A_14 = arith.addi %mul3A_2, %mul3A_13 : i32
      "tpu.region"() ({
        %run_scoped3A = tpu.sem_alloc : memref<!tpu.dma_semaphore, #tpu.memory_space<semaphore_mem>>
        %dma_start3A_19 = tpu.memref_slice %arg3[%add3A_14] : memref<36864xi32, #tpu.memory_space<hbm>> -> memref<128xi32, #tpu.memory_space<hbm>>
        %dma_start3A_20 = tpu.memref_slice %arg3[%add3A_14] : memref<36864xi32, #tpu.memory_space<hbm>> -> memref<128xi32, #tpu.memory_space<hbm>>
        tpu.enqueue_dma source(%dma_start3A_20 : memref<128xi32, #tpu.memory_space<hbm>>) target(%arg5 : memref<128xi32, #tpu.memory_space<vmem>>) target_semaphore(%run_scoped3A : memref<!tpu.dma_semaphore, #tpu.memory_space<semaphore_mem>>)
        %dma_wait3A_21 = tpu.memref_slice %arg3[%add3A_14] : memref<36864xi32, #tpu.memory_space<hbm>> -> memref<128xi32, #tpu.memory_space<hbm>>
        %dma_wait3A_22 = tpu.memref_slice %arg3[%add3A_14] : memref<36864xi32, #tpu.memory_space<hbm>> -> memref<128xi32, #tpu.memory_space<hbm>>
        tpu.wait_dma2 semaphore(%run_scoped3A : memref<!tpu.dma_semaphore, #tpu.memory_space<semaphore_mem>>) src(%dma_wait3A_22 : memref<128xi32, #tpu.memory_space<hbm>>) dst(%arg5 : memref<128xi32, #tpu.memory_space<vmem>>)
        tpu.yield
      }) : () -> ()
      %dma_start3A = arith.constant 0 : i32
      %dma_start3A_15 = arith.constant 0 : i32
      %dma_start3A_16 = tpu.memref_slice %arg2[%dma_start3A, %dma_start3A_15] : memref<8192x256xf32, #tpu.memory_space<hbm>> -> memref<8192x256xf32, #tpu.memory_space<hbm>>
      tpu.enqueue_indirect_dma source(%dma_start3A_16 : memref<8192x256xf32, #tpu.memory_space<hbm>>) target(%arg6 : memref<128x256xf32, #tpu.memory_space<vmem>>) offsets(%arg5 : memref<128xi32, #tpu.memory_space<vmem>>) semaphore(%arg7 : memref<!tpu.dma_semaphore, #tpu.memory_space<semaphore_mem>>)
      %dma_wait3A = arith.constant 0 : i32
      %dma_wait3A_17 = arith.constant 0 : i32
      %dma_wait3A_18 = tpu.memref_slice %arg2[%dma_wait3A, %dma_wait3A_17] : memref<8192x256xf32, #tpu.memory_space<hbm>> -> memref<8192x256xf32, #tpu.memory_space<hbm>>
      tpu.wait_indirect_dma semaphore(%arg7 : memref<!tpu.dma_semaphore, #tpu.memory_space<semaphore_mem>>) src(%dma_wait3A_18 : memref<8192x256xf32, #tpu.memory_space<hbm>>) dst(%arg6 : memref<128x256xf32, #tpu.memory_space<vmem>>)
      "tpu.region"() ({
        %run_scoped3A = tpu.sem_alloc : memref<!tpu.dma_semaphore, #tpu.memory_space<semaphore_mem>>
        %dma_start3A_19 = arith.constant 0 : i32
        %dma_start3A_20 = tpu.memref_slice %arg4[%add3A_14, %dma_start3A_19] : memref<36864x256xf32, #tpu.memory_space<hbm>> -> memref<128x256xf32, #tpu.memory_space<hbm>>
        %dma_start3A_21 = arith.constant 0 : i32
        %dma_start3A_22 = tpu.memref_slice %arg4[%add3A_14, %dma_start3A_21] : memref<36864x256xf32, #tpu.memory_space<hbm>> -> memref<128x256xf32, #tpu.memory_space<hbm>>
        tpu.enqueue_dma source(%arg6 : memref<128x256xf32, #tpu.memory_space<vmem>>) target(%dma_start3A_22 : memref<128x256xf32, #tpu.memory_space<hbm>>) target_semaphore(%run_scoped3A : memref<!tpu.dma_semaphore, #tpu.memory_space<semaphore_mem>>)
        %dma_wait3A_23 = arith.constant 0 : i32
        %dma_wait3A_24 = tpu.memref_slice %arg4[%add3A_14, %dma_wait3A_23] : memref<36864x256xf32, #tpu.memory_space<hbm>> -> memref<128x256xf32, #tpu.memory_space<hbm>>
        %dma_wait3A_25 = arith.constant 0 : i32
        %dma_wait3A_26 = tpu.memref_slice %arg4[%add3A_14, %dma_wait3A_25] : memref<36864x256xf32, #tpu.memory_space<hbm>> -> memref<128x256xf32, #tpu.memory_space<hbm>>
        tpu.wait_dma2 semaphore(%run_scoped3A : memref<!tpu.dma_semaphore, #tpu.memory_space<semaphore_mem>>) src(%arg6 : memref<128x256xf32, #tpu.memory_space<vmem>>) dst(%dma_wait3A_26 : memref<128x256xf32, #tpu.memory_space<hbm>>)
        tpu.yield
      }) : () -> ()
    }
    %scan3A_6 = arith.constant 9 : i32
    return
  }
}

module attributes {stable_mosaic.version = 14 : i64} {
  func.func @_knn_body(%arg0: i32, %arg1: memref<256x8xf32, #tpu.memory_space<vmem>>, %arg2: memref<8x8192xf32, #tpu.memory_space<vmem>>, %arg3: memref<256x16xi32, #tpu.memory_space<vmem>>) attributes {dimension_semantics = [#tpu.dimension_semantics<parallel>], iteration_bounds = array<i64: 16>, scalar_prefetch = 0 : i64, scratch_operands = 0 : i64, tpu.core_type = #tpu.core_type<tc>, window_params = [{transform_indices = @transform_0, window_bounds = array<i64: 256, 8>}, {pipeline_mode = #tpu.pipeline_mode<synchronous>, transform_indices = @transform_1, window_bounds = array<i64: 8, 8192>}, {transform_indices = @transform_2, window_bounds = array<i64: 256, 16>}]} {
    %get3A = arith.constant 0 : index
    %get3A_0 = arith.constant 0 : index
    %get3A_1 = vector.load %arg1[%get3A, %get3A_0] : memref<256x8xf32, #tpu.memory_space<vmem>>, vector<256x8xf32>
    %get3A_2 = arith.constant 0 : index
    %get3A_3 = arith.constant 0 : index
    %get3A_4 = vector.load %arg2[%get3A_2, %get3A_3] : memref<8x8192xf32, #tpu.memory_space<vmem>>, vector<8x8192xf32>
    %dot_general3A = arith.constant dense<0.000000e+00> : vector<256x8192xf32>
    %dot_general3A_5 = tpu.matmul %get3A_1, %get3A_4, %dot_general3A {dimension_numbers = #tpu.dot_dimension_numbers<[1], [0], [0], [1], [0, 0, 1, 1], [], []>, transpose_lhs_hint = false} : vector<256x8xf32>, vector<8x8192xf32>, vector<256x8192xf32> -> vector<256x8192xf32>
    %mul3A = arith.mulf %get3A_1, %get3A_1 : vector<256x8xf32>
    %reduce_sum3A = arith.constant dense<0.000000e+00> : vector<256xf32>
    %reduce_sum3A_6 = vector.multi_reduction <add>, %mul3A, %reduce_sum3A [1] : vector<256x8xf32> to vector<256xf32>
    %broadcast_in_dim3A = vector.shape_cast %reduce_sum3A_6 : vector<256xf32> to vector<256x1xf32>
    %mul3A_7 = arith.mulf %get3A_4, %get3A_4 : vector<8x8192xf32>
    %reduce_sum3A_8 = arith.constant dense<0.000000e+00> : vector<8192xf32>
    %reduce_sum3A_9 = vector.multi_reduction <add>, %mul3A_7, %reduce_sum3A_8 [0] : vector<8x8192xf32> to vector<8192xf32>
    %broadcast_in_dim3A_10 = vector.shape_cast %reduce_sum3A_9 : vector<8192xf32> to vector<1x8192xf32>
    %mul3A_11 = arith.constant -2.000000e+00 : f32
    %mul3A_12 = vector.broadcast %mul3A_11 : f32 to vector<256x8192xf32>
    %mul3A_13 = arith.mulf %mul3A_12, %dot_general3A_5 : vector<256x8192xf32>
    %add3A = vector.broadcast %broadcast_in_dim3A : vector<256x1xf32> to vector<256x8192xf32>
    %add3A_14 = arith.addf %mul3A_13, %add3A : vector<256x8192xf32>
    %add3A_15 = vector.broadcast %broadcast_in_dim3A_10 : vector<1x8192xf32> to vector<256x8192xf32>
    %add3A_16 = arith.addf %add3A_14, %add3A_15 : vector<256x8192xf32>
    %iota3A = tpu.iota {dimensions = array<i32: 1>} : vector<256x8192xi32>
    %convert_element_type3A = arith.sitofp %iota3A : vector<256x8192xi32> to vector<256x8192xf32>
    %reduce_min3A = arith.constant dense<0x7F800000> : vector<256xf32>
    %reduce_min3A_17 = vector.multi_reduction <minimumf>, %add3A_16, %reduce_min3A [1] : vector<256x8192xf32> to vector<256xf32>
    %broadcast_in_dim3A_18 = vector.shape_cast %reduce_min3A_17 : vector<256xf32> to vector<256x1xf32>
    %le3A = vector.broadcast %broadcast_in_dim3A_18 : vector<256x1xf32> to vector<256x8192xf32>
    %le3A_19 = arith.cmpf ole, %add3A_16, %le3A : vector<256x8192xf32>
    %jit3A = arith.constant 8.192000e+03 : f32
    %broadcast_in_dim3A_20 = vector.broadcast %jit3A : f32 to vector<256x8192xf32>
    %select_n3A = arith.select %le3A_19, %convert_element_type3A, %broadcast_in_dim3A_20 : vector<256x8192xi1>, vector<256x8192xf32>
    %reduce_min3A_21 = arith.constant dense<0x7F800000> : vector<256xf32>
    %reduce_min3A_22 = vector.multi_reduction <minimumf>, %select_n3A, %reduce_min3A_21 [1] : vector<256x8192xf32> to vector<256xf32>
    %broadcast_in_dim3A_23 = vector.shape_cast %reduce_min3A_22 : vector<256xf32> to vector<256x1xf32>
    %eq3A = vector.broadcast %broadcast_in_dim3A_23 : vector<256x1xf32> to vector<256x8192xf32>
    %eq3A_24 = arith.cmpf oeq, %convert_element_type3A, %eq3A : vector<256x8192xf32>
    %jit3A_25 = arith.constant 0x7F800000 : f32
    %broadcast_in_dim3A_26 = vector.broadcast %jit3A_25 : f32 to vector<256x8192xf32>
    %select_n3A_27 = arith.select %eq3A_24, %broadcast_in_dim3A_26, %add3A_16 : vector<256x8192xi1>, vector<256x8192xf32>
    %reduce_min3A_28 = arith.constant dense<0x7F800000> : vector<256xf32>
    %reduce_min3A_29 = vector.multi_reduction <minimumf>, %select_n3A_27, %reduce_min3A_28 [1] : vector<256x8192xf32> to vector<256xf32>
    %broadcast_in_dim3A_30 = vector.shape_cast %reduce_min3A_29 : vector<256xf32> to vector<256x1xf32>
    %le3A_31 = vector.broadcast %broadcast_in_dim3A_30 : vector<256x1xf32> to vector<256x8192xf32>
    %le3A_32 = arith.cmpf ole, %select_n3A_27, %le3A_31 : vector<256x8192xf32>
    %jit3A_33 = arith.constant 8.192000e+03 : f32
    %broadcast_in_dim3A_34 = vector.broadcast %jit3A_33 : f32 to vector<256x8192xf32>
    %select_n3A_35 = arith.select %le3A_32, %convert_element_type3A, %broadcast_in_dim3A_34 : vector<256x8192xi1>, vector<256x8192xf32>
    %reduce_min3A_36 = arith.constant dense<0x7F800000> : vector<256xf32>
    %reduce_min3A_37 = vector.multi_reduction <minimumf>, %select_n3A_35, %reduce_min3A_36 [1] : vector<256x8192xf32> to vector<256xf32>
    %broadcast_in_dim3A_38 = vector.shape_cast %reduce_min3A_37 : vector<256xf32> to vector<256x1xf32>
    %eq3A_39 = vector.broadcast %broadcast_in_dim3A_38 : vector<256x1xf32> to vector<256x8192xf32>
    %eq3A_40 = arith.cmpf oeq, %convert_element_type3A, %eq3A_39 : vector<256x8192xf32>
    %jit3A_41 = arith.constant 0x7F800000 : f32
    %broadcast_in_dim3A_42 = vector.broadcast %jit3A_41 : f32 to vector<256x8192xf32>
    %select_n3A_43 = arith.select %eq3A_40, %broadcast_in_dim3A_42, %select_n3A_27 : vector<256x8192xi1>, vector<256x8192xf32>
    %reduce_min3A_44 = arith.constant dense<0x7F800000> : vector<256xf32>
    %reduce_min3A_45 = vector.multi_reduction <minimumf>, %select_n3A_43, %reduce_min3A_44 [1] : vector<256x8192xf32> to vector<256xf32>
    %broadcast_in_dim3A_46 = vector.shape_cast %reduce_min3A_45 : vector<256xf32> to vector<256x1xf32>
    %le3A_47 = vector.broadcast %broadcast_in_dim3A_46 : vector<256x1xf32> to vector<256x8192xf32>
    %le3A_48 = arith.cmpf ole, %select_n3A_43, %le3A_47 : vector<256x8192xf32>
    %jit3A_49 = arith.constant 8.192000e+03 : f32
    %broadcast_in_dim3A_50 = vector.broadcast %jit3A_49 : f32 to vector<256x8192xf32>
    %select_n3A_51 = arith.select %le3A_48, %convert_element_type3A, %broadcast_in_dim3A_50 : vector<256x8192xi1>, vector<256x8192xf32>
    %reduce_min3A_52 = arith.constant dense<0x7F800000> : vector<256xf32>
    %reduce_min3A_53 = vector.multi_reduction <minimumf>, %select_n3A_51, %reduce_min3A_52 [1] : vector<256x8192xf32> to vector<256xf32>
    %broadcast_in_dim3A_54 = vector.shape_cast %reduce_min3A_53 : vector<256xf32> to vector<256x1xf32>
    %eq3A_55 = vector.broadcast %broadcast_in_dim3A_54 : vector<256x1xf32> to vector<256x8192xf32>
    %eq3A_56 = arith.cmpf oeq, %convert_element_type3A, %eq3A_55 : vector<256x8192xf32>
    %jit3A_57 = arith.constant 0x7F800000 : f32
    %broadcast_in_dim3A_58 = vector.broadcast %jit3A_57 : f32 to vector<256x8192xf32>
    %select_n3A_59 = arith.select %eq3A_56, %broadcast_in_dim3A_58, %select_n3A_43 : vector<256x8192xi1>, vector<256x8192xf32>
    %reduce_min3A_60 = arith.constant dense<0x7F800000> : vector<256xf32>
    %reduce_min3A_61 = vector.multi_reduction <minimumf>, %select_n3A_59, %reduce_min3A_60 [1] : vector<256x8192xf32> to vector<256xf32>
    %broadcast_in_dim3A_62 = vector.shape_cast %reduce_min3A_61 : vector<256xf32> to vector<256x1xf32>
    %le3A_63 = vector.broadcast %broadcast_in_dim3A_62 : vector<256x1xf32> to vector<256x8192xf32>
    %le3A_64 = arith.cmpf ole, %select_n3A_59, %le3A_63 : vector<256x8192xf32>
    %jit3A_65 = arith.constant 8.192000e+03 : f32
    %broadcast_in_dim3A_66 = vector.broadcast %jit3A_65 : f32 to vector<256x8192xf32>
    %select_n3A_67 = arith.select %le3A_64, %convert_element_type3A, %broadcast_in_dim3A_66 : vector<256x8192xi1>, vector<256x8192xf32>
    %reduce_min3A_68 = arith.constant dense<0x7F800000> : vector<256xf32>
    %reduce_min3A_69 = vector.multi_reduction <minimumf>, %select_n3A_67, %reduce_min3A_68 [1] : vector<256x8192xf32> to vector<256xf32>
    %broadcast_in_dim3A_70 = vector.shape_cast %reduce_min3A_69 : vector<256xf32> to vector<256x1xf32>
    %eq3A_71 = vector.broadcast %broadcast_in_dim3A_70 : vector<256x1xf32> to vector<256x8192xf32>
    %eq3A_72 = arith.cmpf oeq, %convert_element_type3A, %eq3A_71 : vector<256x8192xf32>
    %jit3A_73 = arith.constant 0x7F800000 : f32
    %broadcast_in_dim3A_74 = vector.broadcast %jit3A_73 : f32 to vector<256x8192xf32>
    %select_n3A_75 = arith.select %eq3A_72, %broadcast_in_dim3A_74, %select_n3A_59 : vector<256x8192xi1>, vector<256x8192xf32>
    %reduce_min3A_76 = arith.constant dense<0x7F800000> : vector<256xf32>
    %reduce_min3A_77 = vector.multi_reduction <minimumf>, %select_n3A_75, %reduce_min3A_76 [1] : vector<256x8192xf32> to vector<256xf32>
    %broadcast_in_dim3A_78 = vector.shape_cast %reduce_min3A_77 : vector<256xf32> to vector<256x1xf32>
    %le3A_79 = vector.broadcast %broadcast_in_dim3A_78 : vector<256x1xf32> to vector<256x8192xf32>
    %le3A_80 = arith.cmpf ole, %select_n3A_75, %le3A_79 : vector<256x8192xf32>
    %jit3A_81 = arith.constant 8.192000e+03 : f32
    %broadcast_in_dim3A_82 = vector.broadcast %jit3A_81 : f32 to vector<256x8192xf32>
    %select_n3A_83 = arith.select %le3A_80, %convert_element_type3A, %broadcast_in_dim3A_82 : vector<256x8192xi1>, vector<256x8192xf32>
    %reduce_min3A_84 = arith.constant dense<0x7F800000> : vector<256xf32>
    %reduce_min3A_85 = vector.multi_reduction <minimumf>, %select_n3A_83, %reduce_min3A_84 [1] : vector<256x8192xf32> to vector<256xf32>
    %broadcast_in_dim3A_86 = vector.shape_cast %reduce_min3A_85 : vector<256xf32> to vector<256x1xf32>
    %eq3A_87 = vector.broadcast %broadcast_in_dim3A_86 : vector<256x1xf32> to vector<256x8192xf32>
    %eq3A_88 = arith.cmpf oeq, %convert_element_type3A, %eq3A_87 : vector<256x8192xf32>
    %jit3A_89 = arith.constant 0x7F800000 : f32
    %broadcast_in_dim3A_90 = vector.broadcast %jit3A_89 : f32 to vector<256x8192xf32>
    %select_n3A_91 = arith.select %eq3A_88, %broadcast_in_dim3A_90, %select_n3A_75 : vector<256x8192xi1>, vector<256x8192xf32>
    %reduce_min3A_92 = arith.constant dense<0x7F800000> : vector<256xf32>
    %reduce_min3A_93 = vector.multi_reduction <minimumf>, %select_n3A_91, %reduce_min3A_92 [1] : vector<256x8192xf32> to vector<256xf32>
    %broadcast_in_dim3A_94 = vector.shape_cast %reduce_min3A_93 : vector<256xf32> to vector<256x1xf32>
    %le3A_95 = vector.broadcast %broadcast_in_dim3A_94 : vector<256x1xf32> to vector<256x8192xf32>
    %le3A_96 = arith.cmpf ole, %select_n3A_91, %le3A_95 : vector<256x8192xf32>
    %jit3A_97 = arith.constant 8.192000e+03 : f32
    %broadcast_in_dim3A_98 = vector.broadcast %jit3A_97 : f32 to vector<256x8192xf32>
    %select_n3A_99 = arith.select %le3A_96, %convert_element_type3A, %broadcast_in_dim3A_98 : vector<256x8192xi1>, vector<256x8192xf32>
    %reduce_min3A_100 = arith.constant dense<0x7F800000> : vector<256xf32>
    %reduce_min3A_101 = vector.multi_reduction <minimumf>, %select_n3A_99, %reduce_min3A_100 [1] : vector<256x8192xf32> to vector<256xf32>
    %broadcast_in_dim3A_102 = vector.shape_cast %reduce_min3A_101 : vector<256xf32> to vector<256x1xf32>
    %eq3A_103 = vector.broadcast %broadcast_in_dim3A_102 : vector<256x1xf32> to vector<256x8192xf32>
    %eq3A_104 = arith.cmpf oeq, %convert_element_type3A, %eq3A_103 : vector<256x8192xf32>
    %jit3A_105 = arith.constant 0x7F800000 : f32
    %broadcast_in_dim3A_106 = vector.broadcast %jit3A_105 : f32 to vector<256x8192xf32>
    %select_n3A_107 = arith.select %eq3A_104, %broadcast_in_dim3A_106, %select_n3A_91 : vector<256x8192xi1>, vector<256x8192xf32>
    %reduce_min3A_108 = arith.constant dense<0x7F800000> : vector<256xf32>
    %reduce_min3A_109 = vector.multi_reduction <minimumf>, %select_n3A_107, %reduce_min3A_108 [1] : vector<256x8192xf32> to vector<256xf32>
    %broadcast_in_dim3A_110 = vector.shape_cast %reduce_min3A_109 : vector<256xf32> to vector<256x1xf32>
    %le3A_111 = vector.broadcast %broadcast_in_dim3A_110 : vector<256x1xf32> to vector<256x8192xf32>
    %le3A_112 = arith.cmpf ole, %select_n3A_107, %le3A_111 : vector<256x8192xf32>
    %jit3A_113 = arith.constant 8.192000e+03 : f32
    %broadcast_in_dim3A_114 = vector.broadcast %jit3A_113 : f32 to vector<256x8192xf32>
    %select_n3A_115 = arith.select %le3A_112, %convert_element_type3A, %broadcast_in_dim3A_114 : vector<256x8192xi1>, vector<256x8192xf32>
    %reduce_min3A_116 = arith.constant dense<0x7F800000> : vector<256xf32>
    %reduce_min3A_117 = vector.multi_reduction <minimumf>, %select_n3A_115, %reduce_min3A_116 [1] : vector<256x8192xf32> to vector<256xf32>
    %broadcast_in_dim3A_118 = vector.shape_cast %reduce_min3A_117 : vector<256xf32> to vector<256x1xf32>
    %eq3A_119 = vector.broadcast %broadcast_in_dim3A_118 : vector<256x1xf32> to vector<256x8192xf32>
    %eq3A_120 = arith.cmpf oeq, %convert_element_type3A, %eq3A_119 : vector<256x8192xf32>
    %jit3A_121 = arith.constant 0x7F800000 : f32
    %broadcast_in_dim3A_122 = vector.broadcast %jit3A_121 : f32 to vector<256x8192xf32>
    %select_n3A_123 = arith.select %eq3A_120, %broadcast_in_dim3A_122, %select_n3A_107 : vector<256x8192xi1>, vector<256x8192xf32>
    %reduce_min3A_124 = arith.constant dense<0x7F800000> : vector<256xf32>
    %reduce_min3A_125 = vector.multi_reduction <minimumf>, %select_n3A_123, %reduce_min3A_124 [1] : vector<256x8192xf32> to vector<256xf32>
    %broadcast_in_dim3A_126 = vector.shape_cast %reduce_min3A_125 : vector<256xf32> to vector<256x1xf32>
    %le3A_127 = vector.broadcast %broadcast_in_dim3A_126 : vector<256x1xf32> to vector<256x8192xf32>
    %le3A_128 = arith.cmpf ole, %select_n3A_123, %le3A_127 : vector<256x8192xf32>
    %jit3A_129 = arith.constant 8.192000e+03 : f32
    %broadcast_in_dim3A_130 = vector.broadcast %jit3A_129 : f32 to vector<256x8192xf32>
    %select_n3A_131 = arith.select %le3A_128, %convert_element_type3A, %broadcast_in_dim3A_130 : vector<256x8192xi1>, vector<256x8192xf32>
    %reduce_min3A_132 = arith.constant dense<0x7F800000> : vector<256xf32>
    %reduce_min3A_133 = vector.multi_reduction <minimumf>, %select_n3A_131, %reduce_min3A_132 [1] : vector<256x8192xf32> to vector<256xf32>
    %broadcast_in_dim3A_134 = vector.shape_cast %reduce_min3A_133 : vector<256xf32> to vector<256x1xf32>
    %eq3A_135 = vector.broadcast %broadcast_in_dim3A_134 : vector<256x1xf32> to vector<256x8192xf32>
    %eq3A_136 = arith.cmpf oeq, %convert_element_type3A, %eq3A_135 : vector<256x8192xf32>
    %jit3A_137 = arith.constant 0x7F800000 : f32
    %broadcast_in_dim3A_138 = vector.broadcast %jit3A_137 : f32 to vector<256x8192xf32>
    %select_n3A_139 = arith.select %eq3A_136, %broadcast_in_dim3A_138, %select_n3A_123 : vector<256x8192xi1>, vector<256x8192xf32>
    %reduce_min3A_140 = arith.constant dense<0x7F800000> : vector<256xf32>
    %reduce_min3A_141 = vector.multi_reduction <minimumf>, %select_n3A_139, %reduce_min3A_140 [1] : vector<256x8192xf32> to vector<256xf32>
    %broadcast_in_dim3A_142 = vector.shape_cast %reduce_min3A_141 : vector<256xf32> to vector<256x1xf32>
    %le3A_143 = vector.broadcast %broadcast_in_dim3A_142 : vector<256x1xf32> to vector<256x8192xf32>
    %le3A_144 = arith.cmpf ole, %select_n3A_139, %le3A_143 : vector<256x8192xf32>
    %jit3A_145 = arith.constant 8.192000e+03 : f32
    %broadcast_in_dim3A_146 = vector.broadcast %jit3A_145 : f32 to vector<256x8192xf32>
    %select_n3A_147 = arith.select %le3A_144, %convert_element_type3A, %broadcast_in_dim3A_146 : vector<256x8192xi1>, vector<256x8192xf32>
    %reduce_min3A_148 = arith.constant dense<0x7F800000> : vector<256xf32>
    %reduce_min3A_149 = vector.multi_reduction <minimumf>, %select_n3A_147, %reduce_min3A_148 [1] : vector<256x8192xf32> to vector<256xf32>
    %broadcast_in_dim3A_150 = vector.shape_cast %reduce_min3A_149 : vector<256xf32> to vector<256x1xf32>
    %concatenate3A = tpu.concatenate %broadcast_in_dim3A_23, %broadcast_in_dim3A_38, %broadcast_in_dim3A_54, %broadcast_in_dim3A_70, %broadcast_in_dim3A_86, %broadcast_in_dim3A_102, %broadcast_in_dim3A_118, %broadcast_in_dim3A_134, %broadcast_in_dim3A_150 in 1 : vector<256x1xf32>, vector<256x1xf32>, vector<256x1xf32>, vector<256x1xf32>, vector<256x1xf32>, vector<256x1xf32>, vector<256x1xf32>, vector<256x1xf32>, vector<256x1xf32> -> vector<256x9xf32>
    %convert_element_type3A_151 = arith.fptosi %concatenate3A : vector<256x9xf32> to vector<256x9xi32>
    %broadcast_in_dim3A_152 = arith.constant 0 : i32
    %broadcast_in_dim3A_153 = vector.broadcast %broadcast_in_dim3A_152 : i32 to vector<256x7xi32>
    %concatenate3A_154 = tpu.concatenate %convert_element_type3A_151, %broadcast_in_dim3A_153 in 1 : vector<256x9xi32>, vector<256x7xi32> -> vector<256x16xi32>
    %swap3A = arith.constant 0 : index
    %swap3A_155 = arith.constant 0 : index
    %swap3A_156 = vector.load %arg3[%swap3A, %swap3A_155] : memref<256x16xi32, #tpu.memory_space<vmem>>, vector<256x16xi32>
    tpu.vector_store %arg3[%swap3A, %swap3A_155], %concatenate3A_154 {strides = array<i32>} : memref<256x16xi32, #tpu.memory_space<vmem>>, vector<256x16xi32>,
    return
  }
  func.func @transform_0(%arg0: i32) -> (i32, i32) {
    %c0_i32 = arith.constant 0 : i32
    %c0_i32_0 = arith.constant 0 : i32
    return %arg0, %c0_i32 : i32, i32
  }
  func.func @transform_1(%arg0: i32) -> (i32, i32) {
    %c0_i32 = arith.constant 0 : i32
    %c0_i32_0 = arith.constant 0 : i32
    %c0_i32_1 = arith.constant 0 : i32
    return %c0_i32, %c0_i32_0 : i32, i32
  }
  func.func @transform_2(%arg0: i32) -> (i32, i32) {
    %c0_i32 = arith.constant 0 : i32
    %c0_i32_0 = arith.constant 0 : i32
    return %arg0, %c0_i32 : i32, i32
  }
}

module attributes {stable_mosaic.version = 14 : i64} {
  func.func @_mlp_body(%arg0: i32, %arg1: memref<9x512x256xf32, #tpu.memory_space<vmem>>, %arg2: memref<512x64xf32, #tpu.memory_space<vmem>>, %arg3: memref<512x8xf32, #tpu.memory_space<vmem>>, %arg4: memref<512x8xf32, #tpu.memory_space<vmem>>, %arg5: memref<256x64xf32, #tpu.memory_space<vmem>>, %arg6: memref<256x64xf32, #tpu.memory_space<vmem>>, %arg7: memref<256x64xf32, #tpu.memory_space<vmem>>, %arg8: memref<8x64xf32, #tpu.memory_space<vmem>>, %arg9: memref<8x64xf32, #tpu.memory_space<vmem>>, %arg10: memref<8x64xf32, #tpu.memory_space<vmem>>, %arg11: memref<64x64xf32, #tpu.memory_space<vmem>>, %arg12: memref<64x64xf32, #tpu.memory_space<vmem>>, %arg13: memref<64x64xf32, #tpu.memory_space<vmem>>, %arg14: memref<64x64xf32, #tpu.memory_space<vmem>>, %arg15: memref<64x64xf32, #tpu.memory_space<vmem>>, %arg16: memref<64x64xf32, #tpu.memory_space<vmem>>, %arg17: memref<64x8xf32, #tpu.memory_space<vmem>>, %arg18: memref<1x64xf32, #tpu.memory_space<vmem>>, %arg19: memref<1x64xf32, #tpu.memory_space<vmem>>, %arg20: memref<1x64xf32, #tpu.memory_space<vmem>>, %arg21: memref<1x64xf32, #tpu.memory_space<vmem>>, %arg22: memref<1x64xf32, #tpu.memory_space<vmem>>, %arg23: memref<1x64xf32, #tpu.memory_space<vmem>>, %arg24: memref<1x8xf32, #tpu.memory_space<vmem>>, %arg25: memref<512x64xf32, #tpu.memory_space<vmem>>, %arg26: memref<512x8xf32, #tpu.memory_space<vmem>>) attributes {dimension_semantics = [#tpu.dimension_semantics<parallel>], iteration_bounds = array<i64: 8>, scalar_prefetch = 0 : i64, scratch_operands = 0 : i64, tpu.core_type = #tpu.core_type<tc>, window_params = [{transform_indices = @transform_0, window_bounds = array<i64: 9, 512, 256>}, {transform_indices = @transform_1, window_bounds = array<i64: 512, 64>}, {transform_indices = @transform_2, window_bounds = array<i64: 512, 8>}, {transform_indices = @transform_3, window_bounds = array<i64: 512, 8>}, {pipeline_mode = #tpu.pipeline_mode<synchronous>, transform_indices = @transform_4, window_bounds = array<i64: 256, 64>}, {pipeline_mode = #tpu.pipeline_mode<synchronous>, transform_indices = @transform_5, window_bounds = array<i64: 256, 64>}, {pipeline_mode = #tpu.pipeline_mode<synchronous>, transform_indices = @transform_6, window_bounds = array<i64: 256, 64>}, {pipeline_mode = #tpu.pipeline_mode<synchronous>, transform_indices = @transform_7, window_bounds = array<i64: 8, 64>}, {pipeline_mode = #tpu.pipeline_mode<synchronous>, transform_indices = @transform_8, window_bounds = array<i64: 8, 64>}, {pipeline_mode = #tpu.pipeline_mode<synchronous>, transform_indices = @transform_9, window_bounds = array<i64: 8, 64>}, {pipeline_mode = #tpu.pipeline_mode<synchronous>, transform_indices = @transform_10, window_bounds = array<i64: 64, 64>}, {pipeline_mode = #tpu.pipeline_mode<synchronous>, transform_indices = @transform_11, window_bounds = array<i64: 64, 64>}, {pipeline_mode = #tpu.pipeline_mode<synchronous>, transform_indices = @transform_12, window_bounds = array<i64: 64, 64>}, {pipeline_mode = #tpu.pipeline_mode<synchronous>, transform_indices = @transform_13, window_bounds = array<i64: 64, 64>}, {pipeline_mode = #tpu.pipeline_mode<synchronous>, transform_indices = @transform_14, window_bounds = array<i64: 64, 64>}, {pipeline_mode = #tpu.pipeline_mode<synchronous>, transform_indices = @transform_15, window_bounds = array<i64: 64, 64>}, {pipeline_mode = #tpu.pipeline_mode<synchronous>, transform_indices = @transform_16, window_bounds = array<i64: 64, 8>}, {pipeline_mode = #tpu.pipeline_mode<synchronous>, transform_indices = @transform_17, window_bounds = array<i64: 1, 64>}, {pipeline_mode = #tpu.pipeline_mode<synchronous>, transform_indices = @transform_18, window_bounds = array<i64: 1, 64>}, {pipeline_mode = #tpu.pipeline_mode<synchronous>, transform_indices = @transform_19, window_bounds = array<i64: 1, 64>}, {pipeline_mode = #tpu.pipeline_mode<synchronous>, transform_indices = @transform_20, window_bounds = array<i64: 1, 64>}, {pipeline_mode = #tpu.pipeline_mode<synchronous>, transform_indices = @transform_21, window_bounds = array<i64: 1, 64>}, {pipeline_mode = #tpu.pipeline_mode<synchronous>, transform_indices = @transform_22, window_bounds = array<i64: 1, 64>}, {pipeline_mode = #tpu.pipeline_mode<synchronous>, transform_indices = @transform_23, window_bounds = array<i64: 1, 8>}, {transform_indices = @transform_24, window_bounds = array<i64: 512, 64>}, {transform_indices = @transform_25, window_bounds = array<i64: 512, 8>}]} {
    %get3A = arith.constant 0 : index
    %get3A_0 = arith.constant 0 : index
    %get3A_1 = vector.load %arg2[%get3A, %get3A_0] : memref<512x64xf32, #tpu.memory_space<vmem>>, vector<512x64xf32>
    %get3A_2 = arith.constant 0 : index
    %get3A_3 = arith.constant 0 : index
    %get3A_4 = vector.load %arg3[%get3A_2, %get3A_3] : memref<512x8xf32, #tpu.memory_space<vmem>>, vector<512x8xf32>
    %get3A_5 = arith.constant 0 : index
    %get3A_6 = arith.constant 0 : index
    %get3A_7 = vector.load %arg13[%get3A_5, %get3A_6] : memref<64x64xf32, #tpu.memory_space<vmem>>, vector<64x64xf32>
    %dot_general3A = arith.constant dense<0.000000e+00> : vector<512x64xf32>
    %dot_general3A_8 = tpu.matmul %get3A_1, %get3A_7, %dot_general3A {dimension_numbers = #tpu.dot_dimension_numbers<[1], [0], [0], [1], [0, 0, 1, 1], [], []>, transpose_lhs_hint = false} : vector<512x64xf32>, vector<64x64xf32>, vector<512x64xf32> -> vector<512x64xf32>
    %get3A_9 = arith.constant 0 : index
    %get3A_10 = arith.constant 0 : index
    %get3A_11 = vector.load %arg14[%get3A_9, %get3A_10] : memref<64x64xf32, #tpu.memory_space<vmem>>, vector<64x64xf32>
    %dot_general3A_12 = arith.constant dense<0.000000e+00> : vector<512x64xf32>
    %dot_general3A_13 = tpu.matmul %get3A_1, %get3A_11, %dot_general3A_12 {dimension_numbers = #tpu.dot_dimension_numbers<[1], [0], [0], [1], [0, 0, 1, 1], [], []>, transpose_lhs_hint = false} : vector<512x64xf32>, vector<64x64xf32>, vector<512x64xf32> -> vector<512x64xf32>
    %get3A_14 = arith.constant 0 : index
    %get3A_15 = arith.constant 0 : index
    %get3A_16 = vector.load %arg8[%get3A_14, %get3A_15] : memref<8x64xf32, #tpu.memory_space<vmem>>, vector<8x64xf32>
    %dot_general3A_17 = arith.constant dense<0.000000e+00> : vector<512x64xf32>
    %dot_general3A_18 = tpu.matmul %get3A_4, %get3A_16, %dot_general3A_17 {dimension_numbers = #tpu.dot_dimension_numbers<[1], [0], [0], [1], [0, 0, 1, 1], [], []>, transpose_lhs_hint = false} : vector<512x8xf32>, vector<8x64xf32>, vector<512x64xf32> -> vector<512x64xf32>
    %get3A_19 = arith.constant 0 : index
    %get3A_20 = arith.constant 0 : index
    %get3A_21 = vector.load %arg9[%get3A_19, %get3A_20] : memref<8x64xf32, #tpu.memory_space<vmem>>, vector<8x64xf32>
    %dot_general3A_22 = arith.constant dense<0.000000e+00> : vector<512x64xf32>
    %dot_general3A_23 = tpu.matmul %get3A_4, %get3A_21, %dot_general3A_22 {dimension_numbers = #tpu.dot_dimension_numbers<[1], [0], [0], [1], [0, 0, 1, 1], [], []>, transpose_lhs_hint = false} : vector<512x8xf32>, vector<8x64xf32>, vector<512x64xf32> -> vector<512x64xf32>
    %get3A_24 = arith.constant 0 : index
    %get3A_25 = arith.constant 0 : index
    %get3A_26 = vector.load %arg10[%get3A_24, %get3A_25] : memref<8x64xf32, #tpu.memory_space<vmem>>, vector<8x64xf32>
    %dot_general3A_27 = arith.constant dense<0.000000e+00> : vector<512x64xf32>
    %dot_general3A_28 = tpu.matmul %get3A_4, %get3A_26, %dot_general3A_27 {dimension_numbers = #tpu.dot_dimension_numbers<[1], [0], [0], [1], [0, 0, 1, 1], [], []>, transpose_lhs_hint = false} : vector<512x8xf32>, vector<8x64xf32>, vector<512x64xf32> -> vector<512x64xf32>
    %get3A_29 = arith.constant 0 : index
    %get3A_30 = arith.constant 0 : index
    %get3A_31 = arith.constant 0 : index
    %get3A_32 = vector.load %arg1[%get3A_29, %get3A_30, %get3A_31] : memref<9x512x256xf32, #tpu.memory_space<vmem>>, vector<9x512x256xf32>
    %reshape3A = vector.shape_cast %get3A_32 : vector<9x512x256xf32> to vector<4608x256xf32>
    %get3A_33 = arith.constant 0 : index
    %get3A_34 = arith.constant 0 : index
    %get3A_35 = vector.load %arg5[%get3A_33, %get3A_34] : memref<256x64xf32, #tpu.memory_space<vmem>>, vector<256x64xf32>
    %dot_general3A_36 = arith.constant dense<0.000000e+00> : vector<4608x64xf32>
    %dot_general3A_37 = tpu.matmul %reshape3A, %get3A_35, %dot_general3A_36 {dimension_numbers = #tpu.dot_dimension_numbers<[1], [0], [0], [1], [0, 0, 1, 1], [], []>, transpose_lhs_hint = false} : vector<4608x256xf32>, vector<256x64xf32>, vector<4608x64xf32> -> vector<4608x64xf32>
    %reshape3A_38 = vector.shape_cast %dot_general3A_37 : vector<4608x64xf32> to vector<9x512x64xf32>
    %get3A_39 = arith.constant 0 : index
    %get3A_40 = arith.constant 0 : index
    %get3A_41 = vector.load %arg6[%get3A_39, %get3A_40] : memref<256x64xf32, #tpu.memory_space<vmem>>, vector<256x64xf32>
    %dot_general3A_42 = arith.constant dense<0.000000e+00> : vector<4608x64xf32>
    %dot_general3A_43 = tpu.matmul %reshape3A, %get3A_41, %dot_general3A_42 {dimension_numbers = #tpu.dot_dimension_numbers<[1], [0], [0], [1], [0, 0, 1, 1], [], []>, transpose_lhs_hint = false} : vector<4608x256xf32>, vector<256x64xf32>, vector<4608x64xf32> -> vector<4608x64xf32>
    %reshape3A_44 = vector.shape_cast %dot_general3A_43 : vector<4608x64xf32> to vector<9x512x64xf32>
    %get3A_45 = arith.constant 0 : index
    %get3A_46 = arith.constant 0 : index
    %get3A_47 = vector.load %arg7[%get3A_45, %get3A_46] : memref<256x64xf32, #tpu.memory_space<vmem>>, vector<256x64xf32>
    %dot_general3A_48 = arith.constant dense<0.000000e+00> : vector<4608x64xf32>
    %dot_general3A_49 = tpu.matmul %reshape3A, %get3A_47, %dot_general3A_48 {dimension_numbers = #tpu.dot_dimension_numbers<[1], [0], [0], [1], [0, 0, 1, 1], [], []>, transpose_lhs_hint = false} : vector<4608x256xf32>, vector<256x64xf32>, vector<4608x64xf32> -> vector<4608x64xf32>
    %reshape3A_50 = vector.shape_cast %dot_general3A_49 : vector<4608x64xf32> to vector<9x512x64xf32>
    %sub3A = arith.subf %dot_general3A_8, %dot_general3A_18 : vector<512x64xf32>
    %get3A_51 = arith.constant 0 : index
    %get3A_52 = arith.constant 0 : index
    %get3A_53 = vector.load %arg18[%get3A_51, %get3A_52] : memref<1x64xf32, #tpu.memory_space<vmem>>, vector<1x64xf32>
    %add3A = vector.broadcast %get3A_53 : vector<1x64xf32> to vector<512x64xf32>
    %add3A_54 = arith.addf %sub3A, %add3A : vector<512x64xf32>
    %broadcast_in_dim3A = vector.shape_cast %add3A_54 : vector<512x64xf32> to vector<1x512x64xf32>
    %add3A_55 = vector.broadcast %broadcast_in_dim3A : vector<1x512x64xf32> to vector<9x512x64xf32>
    %add3A_56 = arith.addf %reshape3A_38, %add3A_55 : vector<9x512x64xf32>
    %gt3A = arith.constant 0.000000e+00 : f32
    %gt3A_57 = vector.broadcast %gt3A : f32 to vector<9x512x64xf32>
    %gt3A_58 = arith.cmpf ogt, %add3A_56, %gt3A_57 : vector<9x512x64xf32>
    %mul3A = arith.constant 1.000000e-01 : f32
    %mul3A_59 = vector.broadcast %mul3A : f32 to vector<9x512x64xf32>
    %mul3A_60 = arith.mulf %mul3A_59, %add3A_56 : vector<9x512x64xf32>
    %select_n3A = arith.select %gt3A_58, %add3A_56, %mul3A_60 : vector<9x512x64xi1>, vector<9x512x64xf32>
    %reshape3A_61 = vector.shape_cast %select_n3A : vector<9x512x64xf32> to vector<4608x64xf32>
    %get3A_62 = arith.constant 0 : index
    %get3A_63 = arith.constant 0 : index
    %get3A_64 = vector.load %arg11[%get3A_62, %get3A_63] : memref<64x64xf32, #tpu.memory_space<vmem>>, vector<64x64xf32>
    %dot_general3A_65 = arith.constant dense<0.000000e+00> : vector<4608x64xf32>
    %dot_general3A_66 = tpu.matmul %reshape3A_61, %get3A_64, %dot_general3A_65 {dimension_numbers = #tpu.dot_dimension_numbers<[1], [0], [0], [1], [0, 0, 1, 1], [], []>, transpose_lhs_hint = false} : vector<4608x64xf32>, vector<64x64xf32>, vector<4608x64xf32> -> vector<4608x64xf32>
    %reshape3A_67 = vector.shape_cast %dot_general3A_66 : vector<4608x64xf32> to vector<9x512x64xf32>
    %get3A_68 = arith.constant 0 : index
    %get3A_69 = arith.constant 0 : index
    %get3A_70 = vector.load %arg19[%get3A_68, %get3A_69] : memref<1x64xf32, #tpu.memory_space<vmem>>, vector<1x64xf32>
    %broadcast_in_dim3A_71 = vector.shape_cast %get3A_70 : vector<1x64xf32> to vector<1x1x64xf32>
    %add3A_72 = vector.broadcast %broadcast_in_dim3A_71 : vector<1x1x64xf32> to vector<9x512x64xf32>
    %add3A_73 = arith.addf %reshape3A_67, %add3A_72 : vector<9x512x64xf32>
    %logistic3A = arith.negf %add3A_73 : vector<9x512x64xf32>
    %logistic3A_74 = math.exp %logistic3A : vector<9x512x64xf32>
    %logistic3A_75 = arith.constant 1.000000e+00 : f32
    %logistic3A_76 = vector.broadcast %logistic3A_75 : f32 to vector<9x512x64xf32>
    %logistic3A_77 = arith.addf %logistic3A_76, %logistic3A_74 : vector<9x512x64xf32>
    %logistic3A_78 = arith.divf %logistic3A_76, %logistic3A_77 : vector<9x512x64xf32>
    %broadcast_in_dim3A_79 = vector.shape_cast %get3A_1 : vector<512x64xf32> to vector<1x512x64xf32>
    %mul3A_80 = vector.broadcast %broadcast_in_dim3A_79 : vector<1x512x64xf32> to vector<9x512x64xf32>
    %mul3A_81 = arith.mulf %logistic3A_78, %mul3A_80 : vector<9x512x64xf32>
    %reshape3A_82 = vector.shape_cast %mul3A_81 : vector<9x512x64xf32> to vector<4608x64xf32>
    %get3A_83 = arith.constant 0 : index
    %get3A_84 = arith.constant 0 : index
    %get3A_85 = vector.load %arg12[%get3A_83, %get3A_84] : memref<64x64xf32, #tpu.memory_space<vmem>>, vector<64x64xf32>
    %dot_general3A_86 = arith.constant dense<0.000000e+00> : vector<4608x64xf32>
    %dot_general3A_87 = tpu.matmul %reshape3A_82, %get3A_85, %dot_general3A_86 {dimension_numbers = #tpu.dot_dimension_numbers<[1], [0], [0], [1], [0, 0, 1, 1], [], []>, transpose_lhs_hint = false} : vector<4608x64xf32>, vector<64x64xf32>, vector<4608x64xf32> -> vector<4608x64xf32>
    %reshape3A_88 = vector.shape_cast %dot_general3A_87 : vector<4608x64xf32> to vector<9x512x64xf32>
    %get3A_89 = arith.constant 0 : index
    %get3A_90 = arith.constant 0 : index
    %get3A_91 = vector.load %arg22[%get3A_89, %get3A_90] : memref<1x64xf32, #tpu.memory_space<vmem>>, vector<1x64xf32>
    %sub3A_92 = vector.broadcast %get3A_91 : vector<1x64xf32> to vector<512x64xf32>
    %sub3A_93 = arith.subf %sub3A_92, %dot_general3A_28 : vector<512x64xf32>
    %broadcast_in_dim3A_94 = vector.shape_cast %sub3A_93 : vector<512x64xf32> to vector<1x512x64xf32>
    %add3A_95 = vector.broadcast %broadcast_in_dim3A_94 : vector<1x512x64xf32> to vector<9x512x64xf32>
    %add3A_96 = arith.addf %reshape3A_50, %add3A_95 : vector<9x512x64xf32>
    %add3A_97 = arith.addf %add3A_96, %reshape3A_88 : vector<9x512x64xf32>
    %gt3A_98 = arith.constant 0.000000e+00 : f32
    %gt3A_99 = vector.broadcast %gt3A_98 : f32 to vector<9x512x64xf32>
    %gt3A_100 = arith.cmpf ogt, %add3A_97, %gt3A_99 : vector<9x512x64xf32>
    %mul3A_101 = arith.constant 1.000000e-01 : f32
    %mul3A_102 = vector.broadcast %mul3A_101 : f32 to vector<9x512x64xf32>
    %mul3A_103 = arith.mulf %mul3A_102, %add3A_97 : vector<9x512x64xf32>
    %select_n3A_104 = arith.select %gt3A_100, %add3A_97, %mul3A_103 : vector<9x512x64xi1>, vector<9x512x64xf32>
    %reduce_max3A = arith.constant dense<0xFF800000> : vector<512x64xf32>
    %reduce_max3A_105 = vector.multi_reduction <maximumf>, %select_n3A_104, %reduce_max3A [0] : vector<9x512x64xf32> to vector<512x64xf32>
    %sub3A_106 = arith.subf %dot_general3A_13, %dot_general3A_23 : vector<512x64xf32>
    %get3A_107 = arith.constant 0 : index
    %get3A_108 = arith.constant 0 : index
    %get3A_109 = vector.load %arg20[%get3A_107, %get3A_108] : memref<1x64xf32, #tpu.memory_space<vmem>>, vector<1x64xf32>
    %add3A_110 = vector.broadcast %get3A_109 : vector<1x64xf32> to vector<512x64xf32>
    %add3A_111 = arith.addf %sub3A_106, %add3A_110 : vector<512x64xf32>
    %broadcast_in_dim3A_112 = vector.shape_cast %add3A_111 : vector<512x64xf32> to vector<1x512x64xf32>
    %add3A_113 = vector.broadcast %broadcast_in_dim3A_112 : vector<1x512x64xf32> to vector<9x512x64xf32>
    %add3A_114 = arith.addf %reshape3A_44, %add3A_113 : vector<9x512x64xf32>
    %gt3A_115 = arith.constant 0.000000e+00 : f32
    %gt3A_116 = vector.broadcast %gt3A_115 : f32 to vector<9x512x64xf32>
    %gt3A_117 = arith.cmpf ogt, %add3A_114, %gt3A_116 : vector<9x512x64xf32>
    %mul3A_118 = arith.constant 1.000000e-01 : f32
    %mul3A_119 = vector.broadcast %mul3A_118 : f32 to vector<9x512x64xf32>
    %mul3A_120 = arith.mulf %mul3A_119, %add3A_114 : vector<9x512x64xf32>
    %select_n3A_121 = arith.select %gt3A_117, %add3A_114, %mul3A_120 : vector<9x512x64xi1>, vector<9x512x64xf32>
    %reduce_max3A_122 = arith.constant dense<0xFF800000> : vector<512x64xf32>
    %reduce_max3A_123 = vector.multi_reduction <maximumf>, %select_n3A_121, %reduce_max3A_122 [0] : vector<9x512x64xf32> to vector<512x64xf32>
    %get3A_124 = arith.constant 0 : index
    %get3A_125 = arith.constant 0 : index
    %get3A_126 = vector.load %arg15[%get3A_124, %get3A_125] : memref<64x64xf32, #tpu.memory_space<vmem>>, vector<64x64xf32>
    %dot_general3A_127 = arith.constant dense<0.000000e+00> : vector<512x64xf32>
    %dot_general3A_128 = tpu.matmul %reduce_max3A_123, %get3A_126, %dot_general3A_127 {dimension_numbers = #tpu.dot_dimension_numbers<[1], [0], [0], [1], [0, 0, 1, 1], [], []>, transpose_lhs_hint = false} : vector<512x64xf32>, vector<64x64xf32>, vector<512x64xf32> -> vector<512x64xf32>
    %get3A_129 = arith.constant 0 : index
    %get3A_130 = arith.constant 0 : index
    %get3A_131 = vector.load %arg21[%get3A_129, %get3A_130] : memref<1x64xf32, #tpu.memory_space<vmem>>, vector<1x64xf32>
    %add3A_132 = vector.broadcast %get3A_131 : vector<1x64xf32> to vector<512x64xf32>
    %add3A_133 = arith.addf %dot_general3A_128, %add3A_132 : vector<512x64xf32>
    %logistic3A_134 = arith.negf %add3A_133 : vector<512x64xf32>
    %logistic3A_135 = math.exp %logistic3A_134 : vector<512x64xf32>
    %logistic3A_136 = arith.constant 1.000000e+00 : f32
    %logistic3A_137 = vector.broadcast %logistic3A_136 : f32 to vector<512x64xf32>
    %logistic3A_138 = arith.addf %logistic3A_137, %logistic3A_135 : vector<512x64xf32>
    %logistic3A_139 = arith.divf %logistic3A_137, %logistic3A_138 : vector<512x64xf32>
    %get3A_140 = arith.constant 0 : index
    %get3A_141 = arith.constant 0 : index
    %get3A_142 = vector.load %arg16[%get3A_140, %get3A_141] : memref<64x64xf32, #tpu.memory_space<vmem>>, vector<64x64xf32>
    %dot_general3A_143 = arith.constant dense<0.000000e+00> : vector<512x64xf32>
    %dot_general3A_144 = tpu.matmul %reduce_max3A_105, %get3A_142, %dot_general3A_143 {dimension_numbers = #tpu.dot_dimension_numbers<[1], [0], [0], [1], [0, 0, 1, 1], [], []>, transpose_lhs_hint = false} : vector<512x64xf32>, vector<64x64xf32>, vector<512x64xf32> -> vector<512x64xf32>
    %get3A_145 = arith.constant 0 : index
    %get3A_146 = arith.constant 0 : index
    %get3A_147 = vector.load %arg23[%get3A_145, %get3A_146] : memref<1x64xf32, #tpu.memory_space<vmem>>, vector<1x64xf32>
    %add3A_148 = vector.broadcast %get3A_147 : vector<1x64xf32> to vector<512x64xf32>
    %add3A_149 = arith.addf %dot_general3A_144, %add3A_148 : vector<512x64xf32>
    %tanh3A = math.tanh %add3A_149 : vector<512x64xf32>
    %sub3A_150 = arith.constant 1.000000e+00 : f32
    %sub3A_151 = vector.broadcast %sub3A_150 : f32 to vector<512x64xf32>
    %sub3A_152 = arith.subf %sub3A_151, %logistic3A_139 : vector<512x64xf32>
    %mul3A_153 = arith.mulf %sub3A_152, %get3A_1 : vector<512x64xf32>
    %mul3A_154 = arith.mulf %logistic3A_139, %tanh3A : vector<512x64xf32>
    %add3A_155 = arith.addf %mul3A_153, %mul3A_154 : vector<512x64xf32>
    %swap3A = arith.constant 0 : index
    %swap3A_156 = arith.constant 0 : index
    %swap3A_157 = vector.load %arg25[%swap3A, %swap3A_156] : memref<512x64xf32, #tpu.memory_space<vmem>>, vector<512x64xf32>
    tpu.vector_store %arg25[%swap3A, %swap3A_156], %add3A_155 {strides = array<i32>} : memref<512x64xf32, #tpu.memory_space<vmem>>, vector<512x64xf32>,
    %sub3A_158 = arith.subf %add3A_155, %get3A_1 : vector<512x64xf32>
    %get3A_159 = arith.constant 0 : index
    %get3A_160 = arith.constant 0 : index
    %get3A_161 = vector.load %arg17[%get3A_159, %get3A_160] : memref<64x8xf32, #tpu.memory_space<vmem>>, vector<64x8xf32>
    %dot_general3A_162 = arith.constant dense<0.000000e+00> : vector<512x8xf32>
    %dot_general3A_163 = tpu.matmul %sub3A_158, %get3A_161, %dot_general3A_162 {dimension_numbers = #tpu.dot_dimension_numbers<[1], [0], [0], [1], [0, 0, 1, 1], [], []>, transpose_lhs_hint = false} : vector<512x64xf32>, vector<64x8xf32>, vector<512x8xf32> -> vector<512x8xf32>
    %get3A_164 = arith.constant 0 : index
    %get3A_165 = arith.constant 0 : index
    %get3A_166 = vector.load %arg24[%get3A_164, %get3A_165] : memref<1x8xf32, #tpu.memory_space<vmem>>, vector<1x8xf32>
    %add3A_167 = vector.broadcast %get3A_166 : vector<1x8xf32> to vector<512x8xf32>
    %add3A_168 = arith.addf %dot_general3A_163, %add3A_167 : vector<512x8xf32>
    %jit3A = arith.constant -2.000000e+02 : f32
    %jit3A_169 = arith.constant 2.000000e+02 : f32
    %max3A = vector.broadcast %jit3A : f32 to vector<512x8xf32>
    %max3A_170 = arith.maximumf %max3A, %add3A_168 : vector<512x8xf32>
    %min3A = vector.broadcast %jit3A_169 : f32 to vector<512x8xf32>
    %min3A_171 = arith.minimumf %min3A, %max3A_170 : vector<512x8xf32>
    %get3A_172 = arith.constant 0 : index
    %get3A_173 = arith.constant 0 : index
    %get3A_174 = vector.load %arg4[%get3A_172, %get3A_173] : memref<512x8xf32, #tpu.memory_space<vmem>>, vector<512x8xf32>
    %add3A_175 = arith.addf %min3A_171, %get3A_174 : vector<512x8xf32>
    %swap3A_176 = arith.constant 0 : index
    %swap3A_177 = arith.constant 0 : index
    %swap3A_178 = vector.load %arg26[%swap3A_176, %swap3A_177] : memref<512x8xf32, #tpu.memory_space<vmem>>, vector<512x8xf32>
    tpu.vector_store %arg26[%swap3A_176, %swap3A_177], %add3A_175 {strides = array<i32>} : memref<512x8xf32, #tpu.memory_space<vmem>>, vector<512x8xf32>,
    return
  }
  func.func @transform_0(%arg0: i32) -> (i32, i32, i32) {
    %c0_i32 = arith.constant 0 : i32
    %c0_i32_0 = arith.constant 0 : i32
    %c0_i32_1 = arith.constant 0 : i32
    return %c0_i32, %arg0, %c0_i32_0 : i32, i32, i32
  }
  func.func @transform_1(%arg0: i32) -> (i32, i32) {
    %c0_i32 = arith.constant 0 : i32
    %c0_i32_0 = arith.constant 0 : i32
    return %arg0, %c0_i32 : i32, i32
  }
  func.func @transform_2(%arg0: i32) -> (i32, i32) {
    %c0_i32 = arith.constant 0 : i32
    %c0_i32_0 = arith.constant 0 : i32
    return %arg0, %c0_i32 : i32, i32
  }
  func.func @transform_3(%arg0: i32) -> (i32, i32) {
    %c0_i32 = arith.constant 0 : i32
    %c0_i32_0 = arith.constant 0 : i32
    return %arg0, %c0_i32 : i32, i32
  }
  func.func @transform_4(%arg0: i32) -> (i32, i32) {
    %c0_i32 = arith.constant 0 : i32
    %c0_i32_0 = arith.constant 0 : i32
    %c0_i32_1 = arith.constant 0 : i32
    return %c0_i32, %c0_i32_0 : i32, i32
  }
  func.func @transform_5(%arg0: i32) -> (i32, i32) {
    %c0_i32 = arith.constant 0 : i32
    %c0_i32_0 = arith.constant 0 : i32
    %c0_i32_1 = arith.constant 0 : i32
    return %c0_i32, %c0_i32_0 : i32, i32
  }
  func.func @transform_6(%arg0: i32) -> (i32, i32) {
    %c0_i32 = arith.constant 0 : i32
    %c0_i32_0 = arith.constant 0 : i32
    %c0_i32_1 = arith.constant 0 : i32
    return %c0_i32, %c0_i32_0 : i32, i32
  }
  func.func @transform_7(%arg0: i32) -> (i32, i32) {
    %c0_i32 = arith.constant 0 : i32
    %c0_i32_0 = arith.constant 0 : i32
    %c0_i32_1 = arith.constant 0 : i32
    return %c0_i32, %c0_i32_0 : i32, i32
  }
  func.func @transform_8(%arg0: i32) -> (i32, i32) {
    %c0_i32 = arith.constant 0 : i32
    %c0_i32_0 = arith.constant 0 : i32
    %c0_i32_1 = arith.constant 0 : i32
    return %c0_i32, %c0_i32_0 : i32, i32
  }
  func.func @transform_9(%arg0: i32) -> (i32, i32) {
    %c0_i32 = arith.constant 0 : i32
    %c0_i32_0 = arith.constant 0 : i32
    %c0_i32_1 = arith.constant 0 : i32
    return %c0_i32, %c0_i32_0 : i32, i32
  }
  func.func @transform_10(%arg0: i32) -> (i32, i32) {
    %c0_i32 = arith.constant 0 : i32
    %c0_i32_0 = arith.constant 0 : i32
    %c0_i32_1 = arith.constant 0 : i32
    return %c0_i32, %c0_i32_0 : i32, i32
  }
  func.func @transform_11(%arg0: i32) -> (i32, i32) {
    %c0_i32 = arith.constant 0 : i32
    %c0_i32_0 = arith.constant 0 : i32
    %c0_i32_1 = arith.constant 0 : i32
    return %c0_i32, %c0_i32_0 : i32, i32
  }
  func.func @transform_12(%arg0: i32) -> (i32, i32) {
    %c0_i32 = arith.constant 0 : i32
    %c0_i32_0 = arith.constant 0 : i32
    %c0_i32_1 = arith.constant 0 : i32
    return %c0_i32, %c0_i32_0 : i32, i32
  }
  func.func @transform_13(%arg0: i32) -> (i32, i32) {
    %c0_i32 = arith.constant 0 : i32
    %c0_i32_0 = arith.constant 0 : i32
    %c0_i32_1 = arith.constant 0 : i32
    return %c0_i32, %c0_i32_0 : i32, i32
  }
  func.func @transform_14(%arg0: i32) -> (i32, i32) {
    %c0_i32 = arith.constant 0 : i32
    %c0_i32_0 = arith.constant 0 : i32
    %c0_i32_1 = arith.constant 0 : i32
    return %c0_i32, %c0_i32_0 : i32, i32
  }
  func.func @transform_15(%arg0: i32) -> (i32, i32) {
    %c0_i32 = arith.constant 0 : i32
    %c0_i32_0 = arith.constant 0 : i32
    %c0_i32_1 = arith.constant 0 : i32
    return %c0_i32, %c0_i32_0 : i32, i32
  }
  func.func @transform_16(%arg0: i32) -> (i32, i32) {
    %c0_i32 = arith.constant 0 : i32
    %c0_i32_0 = arith.constant 0 : i32
    %c0_i32_1 = arith.constant 0 : i32
    return %c0_i32, %c0_i32_0 : i32, i32
  }
  func.func @transform_17(%arg0: i32) -> (i32, i32) {
    %c0_i32 = arith.constant 0 : i32
    %c0_i32_0 = arith.constant 0 : i32
    %c0_i32_1 = arith.constant 0 : i32
    return %c0_i32, %c0_i32_0 : i32, i32
  }
  func.func @transform_18(%arg0: i32) -> (i32, i32) {
    %c0_i32 = arith.constant 0 : i32
    %c0_i32_0 = arith.constant 0 : i32
    %c0_i32_1 = arith.constant 0 : i32
    return %c0_i32, %c0_i32_0 : i32, i32
  }
  func.func @transform_19(%arg0: i32) -> (i32, i32) {
    %c0_i32 = arith.constant 0 : i32
    %c0_i32_0 = arith.constant 0 : i32
    %c0_i32_1 = arith.constant 0 : i32
    return %c0_i32, %c0_i32_0 : i32, i32
  }
  func.func @transform_20(%arg0: i32) -> (i32, i32) {
    %c0_i32 = arith.constant 0 : i32
    %c0_i32_0 = arith.constant 0 : i32
    %c0_i32_1 = arith.constant 0 : i32
    return %c0_i32, %c0_i32_0 : i32, i32
  }
  func.func @transform_21(%arg0: i32) -> (i32, i32) {
    %c0_i32 = arith.constant 0 : i32
    %c0_i32_0 = arith.constant 0 : i32
    %c0_i32_1 = arith.constant 0 : i32
    return %c0_i32, %c0_i32_0 : i32, i32
  }
  func.func @transform_22(%arg0: i32) -> (i32, i32) {
    %c0_i32 = arith.constant 0 : i32
    %c0_i32_0 = arith.constant 0 : i32
    %c0_i32_1 = arith.constant 0 : i32
    return %c0_i32, %c0_i32_0 : i32, i32
  }
  func.func @transform_23(%arg0: i32) -> (i32, i32) {
    %c0_i32 = arith.constant 0 : i32
    %c0_i32_0 = arith.constant 0 : i32
    %c0_i32_1 = arith.constant 0 : i32
    return %c0_i32, %c0_i32_0 : i32, i32
  }
  func.func @transform_24(%arg0: i32) -> (i32, i32) {
    %c0_i32 = arith.constant 0 : i32
    %c0_i32_0 = arith.constant 0 : i32
    return %arg0, %c0_i32 : i32, i32
  }
  func.func @transform_25(%arg0: i32) -> (i32, i32) {
    %c0_i32 = arith.constant 0 : i32
    %c0_i32_0 = arith.constant 0 : i32
    return %arg0, %c0_i32 : i32, i32
  }
}

</mosaic_0001>

<sc_bundles>
// kernel: kernel.11.cloned.1.call-start
scs
__scs_entry_jumppad:
0x0: {  	(pc) =	sbr.rel $0x88, $3  }
0x1: {  	(tag) =	ssettag $0x0;
	lr =	simm.s32 $0x1  }
0x2: {  	[smem:$0x3F8B] =	sst lr;
	_ =	strace $0xD0000000  }
0x3: {  	_ = 	snop  }
0x4: {  	_ = 	snop  }
0x5: {  	_ = 	snop  }
0x6: {  	_ = 	snop  }
0x7: {  	_ = 	snop  }
__scs_overlays_trampoline_lowered:
0x8: {  	[smem:$0x3F9A] =	sst s0  }
0x9: {  	[smem:$0x3F9B] =	sst s1  }
0xa: {  	[smem:$0x3F9C] =	sst s2  }
0xb: {  	[smem:$0x3F9D] =	sst s3  }
0xc: {  	[smem:$0x3F9E] =	sst s4  }
0xd: {  	[smem:$0x3F9F] =	sst s5  }
0xe: {  	[smem:$0x3FA0] =	sst s6  }
0xf: {  	[smem:$0x3FA1] =	sst s7  }
0x10: {  	[smem:$0x3FA2] =	sst s8  }
0x11: {  	[smem:$0x3FA3] =	sst s9;
	s0 =	simm.s32 @!p0 $0x0  }
0x12: {  	s1 =	sld [smem:$0x3F89];
	s0 =	simm.s32 @p0 $0x1  }
0x13: {  	[smem:$0x3FA4] =	sst s0;
	s0 =	simm.s32 @!p1 $0x0  }
0x14: {  	s2 =	sld [smem:$0x3F88];
	s0 =	simm.s32 @p1 $0x1  }
0x15: {  	[smem:$0x3FA5] =	sst s0;
	s0 =	simm.s32 @!p2 $0x0  }
0x16: {  	s3 =	sld [smem:$0x3FDB];
	s0 =	simm.s32 @p2 $0x1  }
0x17: {  	s4 =	simm.s32 $0x1BF5;
	[smem:$0x3FA7] =	sst s0  }
0x18: {  	s0 =	sld [smem:$0x3F8A];
	_ =	swait.ge [sflag:s4], $0x0  }
0x19: {  	s7 =	sld [smem:$0x3F8B]  }
0x1a: {  	s8 =	sadd.s32 $0xFFFFE003, lr  }
0x1b: {  	s9 =	sadd.s32 $0xFFFFFEF7, lr;
	s5 =	simm.s32 $0xFFFFFFFF;
	p2 =	slt.u32 s8, $0xFFFFF086  }
0x1c: {  	p1 =	slt.u32 s9, $0xF7A;
	s5 =	simm.s32 @!p2 $0x0  }
0x1d: {  	s5 =	simm.s32 @p1 $0x1;
	p0 =	seq.s32 s7, s2  }
0x1e: {  	s7 =	smul.u32 @!p0 $0xF7A, s2;
	p2 =	seq.s32 @!p0 s5, $0x0  }
0x1f: {  	s9 =	smul.u32 $0xF7A, s1;
	s8 =	simm.s32 @!p0 $0x1BF5;
	p2 =	por !p2, p0  }
0x20: {  	[sflag:s8] =	ssyncset.s32 @!p0 $0xFFFFF086;
	s6 =	sadd.s32 @!p0 s3, s7;
	s7 =	simm.s32 @!p0 $0x108  }
0x21: {  	s3 =	sadd.s32 s3, s9;
	s6 =	sadd.s32 @!p0 $0x88, s6;
	s7 =	simm.s32 @p2 $0x1082  }
0x22: {  	[simem:s7], [sflag:s8] =	dma.local @!p0 [hbm:s6], $0xF7A  }
0x23: {  	s9 =	sor.u32 $0xD0000000, s2;
	s6 =	simm.s32 $0x108;
	_ =	swait.ge @!p0 [sflag:s8], $0x0  }
0x24: {  	s3 =	sadd.s32 $0x88, s3;
	s6 =	simm.s32 @!p1 $0x1082;
	[sflag:s4] =	ssyncset.s32 $0xFFFFF086  }
0x25: {  	[simem:s6], [sflag:s4] =	dma.local [hbm:s3], $0xF7A  }
0x26: {  	[smem:$0x3F8B] =	sst s1;
	(tag) =	ssettag s2;
	_ =	strace s9  }
0x27: {  	s1 =	sld [smem:$0x3F9B]  }
0x28: {  	s2 =	sld [smem:$0x3F9C]  }
0x29: {  	s4 =	sld [smem:$0x3F9E]  }
0x2a: {  	p0 =	seq.s32 s5, $0x0;
	s5 =	sld [smem:$0x3F9F]  }
0x2b: {  	s6 =	sld [smem:$0x3FA0]  }
0x2c: {  	s7 =	sld [smem:$0x3FA1]  }
0x2d: {  	s3 =	simm.s32 $0x108;
	s8 =	sld [smem:$0x3FA2]  }
0x2e: {  	s3 =	simm.s32 @!p0 $0x1082;
	s9 =	sld [smem:$0x3FA3]  }
0x2f: {  	lr =	sadd.s32 s0, s3;
	s0 =	sld [smem:$0x3F9A]  }
0x30: {  	s3 =	sld [smem:$0x3F9D]  }
0x31: {  	[smem:$0x3FA6] =	sst s10  }
0x32: {  	s10 =	sld [smem:$0x3FA4];
	_ =	sdelay $0x3  }
0x33: {  	p0 =	seq.s32 s10, $0x1;
	s10 =	sld [smem:$0x3FA6];
	_ =	sdelay $0x3  }
0x34: {  	[smem:$0x3FA6] =	sst s10  }
0x35: {  	s10 =	sld [smem:$0x3FA5];
	_ =	sdelay $0x3  }
0x36: {  	p1 =	seq.s32 s10, $0x1;
	s10 =	sld [smem:$0x3FA6];
	_ =	sdelay $0x3  }
0x37: {  	[smem:$0x3FA6] =	sst s10  }
0x38: {  	s10 =	sld [smem:$0x3FA7]  }
0x39: {  	_ = 	snop;
	(pc) =	sbr.ind lr, $3  }
0x3a: {  	_ = 	snop  }
0x3b: {  	_ = 	snop  }
0x3c: {  	p2 =	seq.s32 s10, $0x1;
	s10 =	sld [smem:$0x3FA6]  }
0x3d: {  	_ =	shalt  }
0x3e: {  	_ =	shalt  }
0x3f: {  	_ =	shalt  }
0x40: {  	_ =	shalt  }
0x41: {  	_ =	shalt  }
0x42: {  	_ =	shalt  }
0x43: {  	_ =	shalt  }
0x44: {  	_ =	shalt  }
0x45: {  	_ =	shalt  }
0x46: {  	_ =	shalt  }
0x47: {  	_ =	shalt  }
0x48: {  	_ =	shalt  }
0x49: {  	_ =	shalt  }
0x4a: {  	_ =	shalt  }
0x4b: {  	_ =	shalt  }
0x4c: {  	_ =	shalt  }
0x4d: {  	_ =	shalt  }
0x4e: {  	_ =	shalt  }
0x4f: {  	_ =	shalt  }
0x50: {  	_ =	shalt  }
0x51: {  	_ =	shalt  }
0x52: {  	_ =	shalt  }
0x53: {  	_ =	shalt  }
0x54: {  	_ =	shalt  }
0x55: {  	_ =	shalt  }
0x56: {  	_ =	shalt  }
0x57: {  	_ =	shalt  }
0x58: {  	_ =	shalt  }
0x59: {  	_ =	shalt  }
0x5a: {  	_ =	shalt  }
0x5b: {  	_ =	shalt  }
0x5c: {  	_ =	shalt  }
0x5d: {  	_ =	shalt  }
0x5e: {  	_ =	shalt  }
0x5f: {  	_ =	shalt  }
0x60: {  	_ =	shalt  }
0x61: {  	_ =	shalt  }
0x62: {  	_ =	shalt  }
0x63: {  	_ =	shalt  }
0x64: {  	_ =	shalt  }
0x65: {  	_ =	shalt  }
0x66: {  	_ =	shalt  }
0x67: {  	_ =	shalt  }
0x68: {  	_ =	shalt  }
0x69: {  	_ =	shalt  }
0x6a: {  	_ =	shalt  }
0x6b: {  	_ =	shalt  }
0x6c: {  	_ =	shalt  }
0x6d: {  	_ =	shalt  }
0x6e: {  	_ =	shalt  }
0x6f: {  	_ =	shalt  }
0x70: {  	_ =	shalt  }
0x71: {  	_ =	shalt  }
0x72: {  	_ =	shalt  }
0x73: {  	_ =	shalt  }
0x74: {  	_ =	shalt  }
0x75: {  	_ =	shalt  }
0x76: {  	_ =	shalt  }
0x77: {  	_ =	shalt  }
0x78: {  	_ =	shalt  }
0x79: {  	_ =	shalt  }
0x7a: {  	_ =	shalt  }
0x7b: {  	_ =	shalt  }
0x7c: {  	_ =	shalt  }
0x7d: {  	_ =	shalt  }
0x7e: {  	_ =	shalt  }
0x7f: {  	_ =	shalt  }
0x80: {  	_ =	shalt  }
0x81: {  	_ =	shalt  }
0x82: {  	_ =	shalt  }
0x83: {  	_ =	shalt  }
0x84: {  	_ =	shalt  }
0x85: {  	_ =	shalt  }
0x86: {  	_ =	shalt  }
0x87: {  	_ =	shalt  }
.Lfunc_end0:
.L_simem_size_0:
called_computation.1_lowered:
.L_overlay_start_0:
0x88: {  	s2 =	sld [smem:$0x3FD9]  }
0x89: {  	s3 =	sld [smem:$0x3FFE];
	_ =	sdelay $0x1  }
0x8a: {  	s1 =	srdreg.scid  }
0x8b: {  	s0 =	sand.u32 $0x1, s1  }
0x8c: {  	s15 =	sshll.u32 s0, $0xA;
	s2 =	sadd.s32 s3, s2  }
0x8d: {  	s2 =	sadd.s32 s2, s15  }
0x8e: {  	[smem:$0x3FB2] =	sst s2  }
0x8f: {  	_ = 	snop  }
0x90: {  	s2 =	sld [smem:$0x3FD0];
	_ =	sdelay $0x2  }
0x91: {  	s16 =	simm.s32 $0xB;
	s4 =	simm.s32 $0x10  }
0x92: {  	[smem:s4], [sflag:s16] =	dma.local [hbm:s2], $0x1  }
0x93: {  	_ =	swait.eq [sflag:s16], $0x1  }
0x94: {  	[sflag:s16] =	ssyncset.done $0x0  }
0x95: {  	[sflag:s16] =	ssyncadd.s32 $0xFFFFFFFF  }
0x96: {  	s17 =	sld [smem:$0x10];
	(tm) =	ssettm $0x1  }
0x97: {  	s18 =	sld [smem:$0x3FFB];
	_ =	sdelay $0x3  }
0x98: {  	_ =	strace s18  }
0x99: {  	s2 =	sld [smem:$0x3FFC];
	_ =	sdelay $0x3  }
0x9a: {  	_ =	strace s2  }
0x9b: {  	s2 =	sld [smem:$0x3FFD];
	_ =	sdelay $0x3  }
0x9c: {  	_ =	strace s2  }
0x9d: {  	_ =	strace $0x8FFFFFFF  }
0x9e: {  	s19 =	sld [smem:$0x3FDB];
	_ =	sdelay $0x1  }
0x9f: {  	s20 =	simm.s32 $_scs_section_size  }
0xa0: {  	s5 =	simm.s32 $_size__tile_overlayer_lowered;
	s6 =	simm.s32 $_tile_overlayer_lowered  }
0xa1: {  	s7 =	simm.s32 $0x1BFF;
	s21 =	sshll.u32 s6, $0x1;
	s4 =	sadd.s32 s20, s19  }
0xa2: {  	s22 =	simm.s32 $0x0;
	s5 =	sshll.u32 s5, $0x1;
	s6 =	sadd.s32 s21, s4  }
0xa3: {  	[timem:s22], [sflag:s7] =	dma.local [hbm:s6], s5  }
0xa4: {  	_ =	swait.ge [sflag:s7], s5  }
0xa5: {  	s5 =	ssub.s32 $0x0, s5;
	[sflag:s7] =	ssyncset.done $0x0  }
0xa6: {  	[sflag:s7] =	ssyncadd.s32 s5;
	_ =	sdelay $0x1  }
0xa7: {  	s23 =	simm.s32 $0x1B8B  }
0xa8: {  	_ =	swait.ge [sflag:s23], $0x1  }
0xa9: {  	[sflag:s23] =	ssyncset.done $0x0  }
0xaa: {  	[sflag:s23] =	ssyncadd.s32 $0xFFFFFFFF  }
0xab: {  	s5 =	sld [smem:$0x0]  }
0xac: {  	s6 =	sand.u32 $0xFFFFFFFE, s1  }
0xad: {  	p0 =	sne.s32 s1, s6  }
0xae: {  	s6 =	sshll.u32 @p0 s6, $0xE  }
0xaf: {  	s6 =	sadd.s32 @p0 $0x11B8D, s6;
	s7 =	sshll.u32 @p0 s5, $0x11  }
0xb0: {  	s6 =	sor.u32 @p0 s7, s6  }
0xb1: {  	[sflag:s6] =	ssyncadd.remote.s32 @p0 $0x1;
	_ =	sdelay $0x1  }
0xb2: {  	s6 =	simm.s32 @p0 $0x1B8D  }
0xb3: {  	_ =	swait.eq @p0 [sflag:s6], $0x1  }
0xb4: {  	[sflag:s6] =	ssyncadd.s32 @p0 $0xFFFFFFFF  }
0xb5: {  	s7 =	sshll.u32 @!p0 s1, $0xE  }
0xb6: {  	s7 =	sor.u32 @!p0 $0x4000, s7;
	s6 =	simm.s32 @!p0 $0x1B8D  }
0xb7: {  	s5 =	sshll.u32 @!p0 s5, $0x11;
	s7 =	sadd.s32 @!p0 $0x11B8D, s7;
	_ =	swait.eq @!p0 [sflag:s6], $0x1  }
0xb8: {  	s5 =	sor.u32 @!p0 s5, s7;
	[sflag:s6] =	ssyncadd.s32 @!p0 $0xFFFFFFFF  }
0xb9: {  	s25 =	simm.s32 $0x1B8E;
	s24 =	sld [smem:$0x3FFE];
	[sflag:s5] =	ssyncadd.remote.s32 @!p0 $0x1  }
0xba: {  	s26 =	simm.s32 $execute0_lowered;
	[smem:$0x3FD2] =	sst s25  }
0xbb: {  	s6 =	sshll.u32 s26, $0x1;
	_ =	strace $0x80000049;
	[dreg:$0x1] =	wrdreg $0xFFFFFFFF  }
0xbc: {  	s28 =	simm.s32 $_size_execute0_lowered;
	s4 =	sadd.s32 s4, s6;
	[dreg:$0x0] =	wrdreg $0x0  }
0xbd: {  	s6 =	sshll.u32 s28, $0x1;
	[dreg:$0x2] =	wrdreg s4  }
0xbe: {  	[dreg:$0x3] =	wrdreg s6  }
0xbf: {  	[dreg:$0x4] =	wrdreg $0xC0  }
0xc0: {  	_ =	task [dreg:s22], $0x5FFFF  }
0xc1: {  	[dreg:$0x1] =	wrdreg $0xFFFFFFFF  }
0xc2: {  	[dreg:$0x0] =	wrdreg $0x60  }
0xc3: {  	[dreg:$0x2] =	wrdreg s24  }
0xc4: {  	[dreg:$0x3] =	wrdreg s17  }
0xc5: {  	[dreg:$0x4] =	wrdreg $0xA  }
0xc6: {  	_ =	task.clear_ibuf [dreg:s22], $0x5FFFF;
	_ =	strace $0x90000049  }
0xc7: {  	s29 =	simm.s32 $0xA;
	_ =	strace $0x8000004B  }
0xc8: {  	_ =	swait.ge [sflag:s29], $0x1  }
0xc9: {  	[sflag:s29] =	ssyncadd.s32 $0xFFFFFFFF  }
0xca: {  	_ =	strace $0x9000004B  }
0xcb: {  	_ =	sfence  }
0xcc: {  	s30 =	sld [smem:$0x0];
	_ =	sdelay $0x2  }
0xcd: {  	s31 =	sshll.u32 s1, $0xD;
	s1 =	sshrl.u32 s1, $0x2  }
0xce: {  	s4 =	sand.u32 $0x4000, s31;
	s1 =	sadd.s32 s1, s30  }
0xcf: {  	s0 =	sor.u32 s4, s0;
	s1 =	sshll.u32 s1, $0x11  }
0xd0: {  	s0 =	sor.u32 s1, s0  }
0xd1: {  	s0 =	sadd.s32 $0x8F2B, s0  }
0xd2: {  	[sflag:s0] =	ssyncadd.remote.s32 $0x1  }
0xd3: {  	_ =	sfence.sel $0xFFFF  }
0xd4: {  	[dreg:$0x0] =	wrdreg $0xFFFFFFFF;
	(pc) =	sbr.abs _section_cstart, $3  }
0xd5: {  	[dreg:$0x1] =	wrdreg $0xFFFFFFFF  }
0xd6: {  	_ =	task.clear_ibuf [dreg:s22], $0x2FFFF;
	_ =	strace $0x9FFFFFFF  }
0xd7: {  	(tm) =	ssettm $0x7FFFFFFF  }
tec
execute0_lowered:
.L_overlay_start_1:
0x0: {  	(tag) =	ssettag $0x1  }
0x1: {  	s4 =	rddreg [dreg:$0x0]  }
0x2: {  	s6 =	rddreg [dreg:$0x1]  }
0x3: {  	s0 =	rddreg [dreg:$0x2];
	s1 =	stileid.u32  }
0x4: {  	s2 =	simm.s32 $0x0;
	s3 =	srdreg.scid;
	s12 =	simm.s32 $0x2080  }
0x5: {  	s13 =	simm.s32 $0x2880;
	s14 =	simm.s32 $0x3080;
	s15 =	simm.s32 $0x3880  }
0x6: {  	s16 =	simm.s32 $0x4080;
	s17 =	simm.s32 $0x4880;
	s18 =	simm.s32 $0x5080  }
0x7: {  	s19 =	simm.s32 $0x5880;
	s20 =	simm.s32 $0x6080;
	s21 =	simm.s32 $0x6880  }
0x8: {  	s22 =	simm.s32 $0x7080;
	s23 =	simm.s32 $0x7880;
	s5 =	smul.u32 $0x12000, s1  }
0x9: {  	s24 =	simm.s32 $0x1;
	s7 =	sand.u32 $0x1, s3;
	s8 =	smul.u32 $0x900, s1  }
0xa: {  	s25 =	simm.s32 $0x0;
	[smem:$0x7FF] =	sst s2;
	s10 =	smul.u32 $0x480, s7  }
0xb: {  	s3 =	sadd.s32 $0x4C00, s4;
	s9 =	ssub.s32 $0x2, s7;
	s7 =	smul.u32 $0x9000, s7  }
0xc: {  	_ =	strace $0x8000004A;
	s11 =	sshrl.u32 s9, $0x1;
	s5 =	sadd.s32 s5, s4  }
0xd: {  	s30 =	ssub.s32 s9, s11;
	s8 =	sadd.s32 s10, s8;
	s5 =	sadd.s32 s7, s5  }
0xe: {  	v2 =	vlaneseq.u32;
	s7 =	simm.s32 $0x2;
	s9 =	simm.s32 $0x880;
	s10 =	simm.s32 $0x1080  }
0xf: {  	vm0 =	vmmov $0xffff;
	v1 =	vshrl.u32 v2, $0x3;
	s11 =	simm.s32 $0x1880;
	s4 =	smax.u32 s30, $0x1;
	s31 =	sshrl.u32 s8, $0x3  }
0x10: {  	v0 =	vand.u32 $0x7, v2;
	v2 =	vor.u32 $0x8, v2;
	v1 =	vmul.u32 $0x8, v1;
	s5 =	sadd.s32 $0x164C00, s5;
	s8 =	simm.s32 $0x80;
	s6 =	sadd.s32 s31, s6  }
.LBB2_1:
0x11: {  	s26 =	smov.u32 s5;
	s28 =	simm.s32 $0x0  }
.LBB2_2:
0x12: {  	s29 =	sadd.s32 s28, s6  }
0x13: {  	[tilespmem:s2], [sflag:$0x2] =	stream.linear.gather [hbm4b:s29+s2], $0x80, $0x38;
	[tilespmem:$0x8080] =	vst v63  }
0x14: {  	_ =	swait.ge [sflag:s7], $0x80  }
0x15: {  	[sflag:s7] =	ssyncset.done $0x0  }
0x16: {  	[sflag:s7] =	ssyncadd.s32 $0xFFFFFF80  }
0x17: {  	v3 =	vld [tilespmem:$0x0];
	_ =	sdelay $0x4  }
0x18: {  	v4 =	vshll.u32 v3, $0x1  }
0x19: {  	v3 =	vand.u32 $0x7, v3;
	v4 =	vand.u32 $0xFFFFFFF0, v4  }
0x1a: {  	v3 =	vor.u32 v3, v4  }
0x1b: {  	v4 =	vperm.xlane v3, v0;
	_ =	sdelay $0x1  }
0x1c: {  	v3 =	vperm.xlane v3, v2;
	v4 =	vadd.s32 v1, v4;
	_ =	sdelay $0x1  }
0x1d: {  	v3 =	vadd.s32 v1, v3;
	_ =	sdelay $0x2  }
0x1e: {  	[tilespmem:s8], [sflag:$0x1] =	stream.indirect_vreg.gather [hbm4b:s3+s2], $0x80, v4, vm0, $0xb8;
	[tilespmem:$0x8080] =	vst v63  }
0x1f: {  	_ = 	snop  }
0x20: {  	[tilespmem:s9], [sflag:$0x1] =	stream.indirect_vreg.gather [hbm4b:s3+s2], $0x80, v3, vm0, $0xb8;
	[tilespmem:$0x8080] =	vst v63  }
0x21: {  	v3 =	vld [tilespmem:$0x10];
	_ =	sdelay $0x4  }
0x22: {  	v57 =	vshll.u32 v3, $0x1  }
0x23: {  	v3 =	vand.u32 $0x7, v3;
	v4 =	vand.u32 $0xFFFFFFF0, v57  }
0x24: {  	v3 =	vor.u32 v3, v4  }
0x25: {  	v4 =	vperm.xlane v3, v0;
	_ =	sdelay $0x1  }
0x26: {  	v3 =	vperm.xlane v3, v2;
	v4 =	vadd.s32 v1, v4;
	_ =	sdelay $0x1  }
0x27: {  	v3 =	vadd.s32 v1, v3;
	_ =	sdelay $0x2  }
0x28: {  	[tilespmem:s10], [sflag:$0x1] =	stream.indirect_vreg.gather [hbm4b:s3+s2], $0x80, v4, vm0, $0xb8;
	[tilespmem:$0x8080] =	vst v63  }
0x29: {  	_ = 	snop  }
0x2a: {  	[tilespmem:s11], [sflag:$0x1] =	stream.indirect_vreg.gather [hbm4b:s3+s2], $0x80, v3, vm0, $0xb8;
	[tilespmem:$0x8080] =	vst v63  }
0x2b: {  	v3 =	vld [tilespmem:$0x20];
	_ =	sdelay $0x4  }
0x2c: {  	v58 =	vshll.u32 v3, $0x1  }
0x2d: {  	v3 =	vand.u32 $0x7, v3;
	v4 =	vand.u32 $0xFFFFFFF0, v58  }
0x2e: {  	v3 =	vor.u32 v3, v4  }
0x2f: {  	v4 =	vperm.xlane v3, v0;
	_ =	sdelay $0x1  }
0x30: {  	v3 =	vperm.xlane v3, v2;
	v4 =	vadd.s32 v1, v4;
	_ =	sdelay $0x1  }
0x31: {  	v3 =	vadd.s32 v1, v3;
	_ =	sdelay $0x2  }
0x32: {  	[tilespmem:s12], [sflag:$0x1] =	stream.indirect_vreg.gather [hbm4b:s3+s2], $0x80, v4, vm0, $0xb8;
	[tilespmem:$0x8080] =	vst v63  }
0x33: {  	_ = 	snop  }
0x34: {  	[tilespmem:s13], [sflag:$0x1] =	stream.indirect_vreg.gather [hbm4b:s3+s2], $0x80, v3, vm0, $0xb8;
	[tilespmem:$0x8080] =	vst v63  }
0x35: {  	v3 =	vld [tilespmem:$0x30];
	_ =	sdelay $0x4  }
0x36: {  	v59 =	vshll.u32 v3, $0x1  }
0x37: {  	v3 =	vand.u32 $0x7, v3;
	v4 =	vand.u32 $0xFFFFFFF0, v59  }
0x38: {  	v3 =	vor.u32 v3, v4  }
0x39: {  	v4 =	vperm.xlane v3, v0;
	_ =	sdelay $0x1  }
0x3a: {  	v3 =	vperm.xlane v3, v2;
	v4 =	vadd.s32 v1, v4;
	_ =	sdelay $0x1  }
0x3b: {  	v3 =	vadd.s32 v1, v3;
	_ =	sdelay $0x2  }
0x3c: {  	[tilespmem:s14], [sflag:$0x1] =	stream.indirect_vreg.gather [hbm4b:s3+s2], $0x80, v4, vm0, $0xb8;
	[tilespmem:$0x8080] =	vst v63  }
0x3d: {  	_ = 	snop  }
0x3e: {  	[tilespmem:s15], [sflag:$0x1] =	stream.indirect_vreg.gather [hbm4b:s3+s2], $0x80, v3, vm0, $0xb8;
	[tilespmem:$0x8080] =	vst v63  }
0x3f: {  	v3 =	vld [tilespmem:$0x40];
	_ =	sdelay $0x4  }
0x40: {  	v60 =	vshll.u32 v3, $0x1  }
0x41: {  	v3 =	vand.u32 $0x7, v3;
	v4 =	vand.u32 $0xFFFFFFF0, v60  }
0x42: {  	v3 =	vor.u32 v3, v4  }
0x43: {  	v4 =	vperm.xlane v3, v0;
	_ =	sdelay $0x1  }
0x44: {  	v3 =	vperm.xlane v3, v2;
	v4 =	vadd.s32 v1, v4;
	_ =	sdelay $0x1  }
0x45: {  	v3 =	vadd.s32 v1, v3;
	_ =	sdelay $0x2  }
0x46: {  	[tilespmem:s16], [sflag:$0x1] =	stream.indirect_vreg.gather [hbm4b:s3+s2], $0x80, v4, vm0, $0xb8;
	[tilespmem:$0x8080] =	vst v63  }
0x47: {  	_ = 	snop  }
0x48: {  	[tilespmem:s17], [sflag:$0x1] =	stream.indirect_vreg.gather [hbm4b:s3+s2], $0x80, v3, vm0, $0xb8;
	[tilespmem:$0x8080] =	vst v63  }
0x49: {  	v3 =	vld [tilespmem:$0x50];
	_ =	sdelay $0x4  }
0x4a: {  	v61 =	vshll.u32 v3, $0x1  }
0x4b: {  	v3 =	vand.u32 $0x7, v3;
	v4 =	vand.u32 $0xFFFFFFF0, v61  }
0x4c: {  	v3 =	vor.u32 v3, v4  }
0x4d: {  	v4 =	vperm.xlane v3, v0;
	_ =	sdelay $0x1  }
0x4e: {  	v3 =	vperm.xlane v3, v2;
	v4 =	vadd.s32 v1, v4;
	_ =	sdelay $0x1  }
0x4f: {  	v3 =	vadd.s32 v1, v3;
	_ =	sdelay $0x2  }
0x50: {  	[tilespmem:s18], [sflag:$0x1] =	stream.indirect_vreg.gather [hbm4b:s3+s2], $0x80, v4, vm0, $0xb8;
	[tilespmem:$0x8080] =	vst v63  }
0x51: {  	_ = 	snop  }
0x52: {  	[tilespmem:s19], [sflag:$0x1] =	stream.indirect_vreg.gather [hbm4b:s3+s2], $0x80, v3, vm0, $0xb8;
	[tilespmem:$0x8080] =	vst v63  }
0x53: {  	v3 =	vld [tilespmem:$0x60];
	_ =	sdelay $0x4  }
0x54: {  	v62 =	vshll.u32 v3, $0x1  }
0x55: {  	v3 =	vand.u32 $0x7, v3;
	v4 =	vand.u32 $0xFFFFFFF0, v62  }
0x56: {  	v3 =	vor.u32 v3, v4  }
0x57: {  	v4 =	vperm.xlane v3, v0;
	_ =	sdelay $0x1  }
0x58: {  	v3 =	vperm.xlane v3, v2;
	v4 =	vadd.s32 v1, v4;
	_ =	sdelay $0x1  }
0x59: {  	v3 =	vadd.s32 v1, v3;
	_ =	sdelay $0x2  }
0x5a: {  	[tilespmem:s20], [sflag:$0x1] =	stream.indirect_vreg.gather [hbm4b:s3+s2], $0x80, v4, vm0, $0xb8;
	[tilespmem:$0x8080] =	vst v63  }
0x5b: {  	_ = 	snop  }
0x5c: {  	[tilespmem:s21], [sflag:$0x1] =	stream.indirect_vreg.gather [hbm4b:s3+s2], $0x80, v3, vm0, $0xb8;
	[tilespmem:$0x8080] =	vst v63  }
0x5d: {  	v3 =	vld [tilespmem:$0x70];
	_ =	sdelay $0x4  }
0x5e: {  	v63 =	vshll.u32 v3, $0x1  }
0x5f: {  	v3 =	vand.u32 $0x7, v3;
	v4 =	vand.u32 $0xFFFFFFF0, v63  }
0x60: {  	v3 =	vor.u32 v3, v4  }
0x61: {  	v4 =	vperm.xlane v3, v0;
	_ =	sdelay $0x1  }
0x62: {  	v3 =	vperm.xlane v3, v2;
	v4 =	vadd.s32 v1, v4;
	_ =	sdelay $0x1  }
0x63: {  	v3 =	vadd.s32 v1, v3;
	_ =	sdelay $0x2  }
0x64: {  	[tilespmem:s22], [sflag:$0x1] =	stream.indirect_vreg.gather [hbm4b:s3+s2], $0x80, v4, vm0, $0xb8;
	[tilespmem:$0x8080] =	vst v63  }
0x65: {  	_ = 	snop  }
0x66: {  	[tilespmem:s23], [sflag:$0x1] =	stream.indirect_vreg.gather [hbm4b:s3+s2], $0x80, v3, vm0, $0xb8;
	[tilespmem:$0x8080] =	vst v63  }
0x67: {  	_ =	swait.ge [sflag:s24], $0x8000  }
0x68: {  	p0 =	sne.s32 s28, $0x80;
	[sflag:s24] =	ssyncset.done $0x0  }
.Ltmp0:
0x69: {  	[sflag:s24] =	ssyncadd.s32 $0xFFFF8000;
	(pc) =	sbr.rel @p0 .LBB2_2-.Ltmp0, $4  }
0x6a: {  	[hbm4b:s26+s2] =	stream.linear.scatter [tilespmem:s8], [sflag:$0x2], $0x8000, $0x38;
	[tilespmem:$0x8080] =	vst v63  }
0x6b: {  	_ =	swait.ge [sflag:s7], $0x8000  }
0x6c: {  	[sflag:s7] =	ssyncset.done $0x0  }
0x6d: {  	s28 =	sadd.s32 $0x10, s28;
	s26 =	sadd.s32 $0x1000, s26;
	[sflag:s7] =	ssyncadd.s32 $0xFFFF8000  }
0x6e: {  	s25 =	sadd.s32 $0x1, s25  }
0x6f: {  	p0 =	sne.s32 s25, s4  }
.Ltmp1:
0x70: {  	_ = 	snop;
	(pc) =	sbr.rel @p0 .LBB2_1-.Ltmp1, $1  }
0x71: {  	_ =	sdelay $0x3  }
0x72: {  	_ =	sfence.sel $0x180000  }
0x73: {  	[bflag:$0x0] =	sbarrier.arrive $0xFFFF  }
0x74: {  	p0 =	sne.s32 s1, $0x0;
	_ =	strace $0x9000004A  }
0x75: {  	s0 =	sadd.s32 @!p0 $0x100000, s0;
	[bflag:$0x2] =	sbarrier.arrive $0xFFFF  }
0x76: {  	[sflag:s0] =	ssyncadd.tile.s32 @!p0 $0x1;
	_ =	shalt  }
.Lfunc_end2:
_tile_overlayer_lowered:
.L_overlay_start_2:
0x77: {  	(tag) =	ssettag $0x2  }
0x78: {  	s0 =	rddreg [dreg:$0x0];
	s2 =	stileid.u32  }
0x79: {  	s1 =	rddreg [dreg:$0x1];
	p0 =	sne.s32 s2, $0x0  }
0x7a: {  	s3 =	rddreg [dreg:$0x2];
	[bflag:$0x3] =	sbarrier.arrive $0xFFFF;
	s2 =	simm.s32 @!p0 $0x1C02  }
0x7b: {  	[timem:s3], [sflag:s2] =	dma.local @!p0 [hbm:s0], s1  }
0x7c: {  	s0 =	simm.s32 @!p0 $0x2  }
0x7d: {  	_ =	swait.ge @!p0 [sflag:s0], s1  }
0x7e: {  	s1 =	ssub.s32 @!p0 $0x0, s1;
	[sflag:s0] =	ssyncset.done @!p0 $0x0  }
0x7f: {  	[sflag:s0] =	ssyncadd.s32 @!p0 s1  }
0x80: {  	[bflag:$0x3] =	sbarrier.arrive $0xFFFF  }
0x81: {  	_ =	shalt  }

// kernel: kernel.8.cloned.1.call-start
scs
__scs_entry_jumppad:
0x0: {  	(pc) =	sbr.rel $0x88, $3  }
0x1: {  	(tag) =	ssettag $0x0;
	lr =	simm.s32 $0x1  }
0x2: {  	[smem:$0x3F8B] =	sst lr;
	_ =	strace $0xD0000000  }
0x3: {  	_ = 	snop  }
0x4: {  	_ = 	snop  }
0x5: {  	_ = 	snop  }
0x6: {  	_ = 	snop  }
0x7: {  	_ = 	snop  }
__scs_overlays_trampoline_lowered:
0x8: {  	[smem:$0x3F9A] =	sst s0  }
0x9: {  	[smem:$0x3F9B] =	sst s1  }
0xa: {  	[smem:$0x3F9C] =	sst s2  }
0xb: {  	[smem:$0x3F9D] =	sst s3  }
0xc: {  	[smem:$0x3F9E] =	sst s4  }
0xd: {  	[smem:$0x3F9F] =	sst s5  }
0xe: {  	[smem:$0x3FA0] =	sst s6  }
0xf: {  	[smem:$0x3FA1] =	sst s7  }
0x10: {  	[smem:$0x3FA2] =	sst s8  }
0x11: {  	[smem:$0x3FA3] =	sst s9;
	s0 =	simm.s32 @!p0 $0x0  }
0x12: {  	s1 =	sld [smem:$0x3F89];
	s0 =	simm.s32 @p0 $0x1  }
0x13: {  	[smem:$0x3FA4] =	sst s0;
	s0 =	simm.s32 @!p1 $0x0  }
0x14: {  	s2 =	sld [smem:$0x3F88];
	s0 =	simm.s32 @p1 $0x1  }
0x15: {  	[smem:$0x3FA5] =	sst s0;
	s0 =	simm.s32 @!p2 $0x0  }
0x16: {  	s3 =	sld [smem:$0x3FDB];
	s0 =	simm.s32 @p2 $0x1  }
0x17: {  	s4 =	simm.s32 $0x1BF5;
	[smem:$0x3FA7] =	sst s0  }
0x18: {  	s0 =	sld [smem:$0x3F8A];
	_ =	swait.ge [sflag:s4], $0x0  }
0x19: {  	s7 =	sld [smem:$0x3F8B]  }
0x1a: {  	s8 =	sadd.s32 $0xFFFFE003, lr  }
0x1b: {  	s9 =	sadd.s32 $0xFFFFFEF7, lr;
	s5 =	simm.s32 $0xFFFFFFFF;
	p2 =	slt.u32 s8, $0xFFFFF086  }
0x1c: {  	p1 =	slt.u32 s9, $0xF7A;
	s5 =	simm.s32 @!p2 $0x0  }
0x1d: {  	s5 =	simm.s32 @p1 $0x1;
	p0 =	seq.s32 s7, s2  }
0x1e: {  	s7 =	smul.u32 @!p0 $0xF7A, s2;
	p2 =	seq.s32 @!p0 s5, $0x0  }
0x1f: {  	s9 =	smul.u32 $0xF7A, s1;
	s8 =	simm.s32 @!p0 $0x1BF5;
	p2 =	por !p2, p0  }
0x20: {  	[sflag:s8] =	ssyncset.s32 @!p0 $0xFFFFF086;
	s6 =	sadd.s32 @!p0 s3, s7;
	s7 =	simm.s32 @!p0 $0x108  }
0x21: {  	s3 =	sadd.s32 s3, s9;
	s6 =	sadd.s32 @!p0 $0x88, s6;
	s7 =	simm.s32 @p2 $0x1082  }
0x22: {  	[simem:s7], [sflag:s8] =	dma.local @!p0 [hbm:s6], $0xF7A  }
0x23: {  	s9 =	sor.u32 $0xD0000000, s2;
	s6 =	simm.s32 $0x108;
	_ =	swait.ge @!p0 [sflag:s8], $0x0  }
0x24: {  	s3 =	sadd.s32 $0x88, s3;
	s6 =	simm.s32 @!p1 $0x1082;
	[sflag:s4] =	ssyncset.s32 $0xFFFFF086  }
0x25: {  	[simem:s6], [sflag:s4] =	dma.local [hbm:s3], $0xF7A  }
0x26: {  	[smem:$0x3F8B] =	sst s1;
	(tag) =	ssettag s2;
	_ =	strace s9  }
0x27: {  	s1 =	sld [smem:$0x3F9B]  }
0x28: {  	s2 =	sld [smem:$0x3F9C]  }
0x29: {  	s4 =	sld [smem:$0x3F9E]  }
0x2a: {  	p0 =	seq.s32 s5, $0x0;
	s5 =	sld [smem:$0x3F9F]  }
0x2b: {  	s6 =	sld [smem:$0x3FA0]  }
0x2c: {  	s7 =	sld [smem:$0x3FA1]  }
0x2d: {  	s3 =	simm.s32 $0x108;
	s8 =	sld [smem:$0x3FA2]  }
0x2e: {  	s3 =	simm.s32 @!p0 $0x1082;
	s9 =	sld [smem:$0x3FA3]  }
0x2f: {  	lr =	sadd.s32 s0, s3;
	s0 =	sld [smem:$0x3F9A]  }
0x30: {  	s3 =	sld [smem:$0x3F9D]  }
0x31: {  	[smem:$0x3FA6] =	sst s10  }
0x32: {  	s10 =	sld [smem:$0x3FA4];
	_ =	sdelay $0x3  }
0x33: {  	p0 =	seq.s32 s10, $0x1;
	s10 =	sld [smem:$0x3FA6];
	_ =	sdelay $0x3  }
0x34: {  	[smem:$0x3FA6] =	sst s10  }
0x35: {  	s10 =	sld [smem:$0x3FA5];
	_ =	sdelay $0x3  }
0x36: {  	p1 =	seq.s32 s10, $0x1;
	s10 =	sld [smem:$0x3FA6];
	_ =	sdelay $0x3  }
0x37: {  	[smem:$0x3FA6] =	sst s10  }
0x38: {  	s10 =	sld [smem:$0x3FA7]  }
0x39: {  	_ = 	snop;
	(pc) =	sbr.ind lr, $3  }
0x3a: {  	_ = 	snop  }
0x3b: {  	_ = 	snop  }
0x3c: {  	p2 =	seq.s32 s10, $0x1;
	s10 =	sld [smem:$0x3FA6]  }
0x3d: {  	_ =	shalt  }
0x3e: {  	_ =	shalt  }
0x3f: {  	_ =	shalt  }
0x40: {  	_ =	shalt  }
0x41: {  	_ =	shalt  }
0x42: {  	_ =	shalt  }
0x43: {  	_ =	shalt  }
0x44: {  	_ =	shalt  }
0x45: {  	_ =	shalt  }
0x46: {  	_ =	shalt  }
0x47: {  	_ =	shalt  }
0x48: {  	_ =	shalt  }
0x49: {  	_ =	shalt  }
0x4a: {  	_ =	shalt  }
0x4b: {  	_ =	shalt  }
0x4c: {  	_ =	shalt  }
0x4d: {  	_ =	shalt  }
0x4e: {  	_ =	shalt  }
0x4f: {  	_ =	shalt  }
0x50: {  	_ =	shalt  }
0x51: {  	_ =	shalt  }
0x52: {  	_ =	shalt  }
0x53: {  	_ =	shalt  }
0x54: {  	_ =	shalt  }
0x55: {  	_ =	shalt  }
0x56: {  	_ =	shalt  }
0x57: {  	_ =	shalt  }
0x58: {  	_ =	shalt  }
0x59: {  	_ =	shalt  }
0x5a: {  	_ =	shalt  }
0x5b: {  	_ =	shalt  }
0x5c: {  	_ =	shalt  }
0x5d: {  	_ =	shalt  }
0x5e: {  	_ =	shalt  }
0x5f: {  	_ =	shalt  }
0x60: {  	_ =	shalt  }
0x61: {  	_ =	shalt  }
0x62: {  	_ =	shalt  }
0x63: {  	_ =	shalt  }
0x64: {  	_ =	shalt  }
0x65: {  	_ =	shalt  }
0x66: {  	_ =	shalt  }
0x67: {  	_ =	shalt  }
0x68: {  	_ =	shalt  }
0x69: {  	_ =	shalt  }
0x6a: {  	_ =	shalt  }
0x6b: {  	_ =	shalt  }
0x6c: {  	_ =	shalt  }
0x6d: {  	_ =	shalt  }
0x6e: {  	_ =	shalt  }
0x6f: {  	_ =	shalt  }
0x70: {  	_ =	shalt  }
0x71: {  	_ =	shalt  }
0x72: {  	_ =	shalt  }
0x73: {  	_ =	shalt  }
0x74: {  	_ =	shalt  }
0x75: {  	_ =	shalt  }
0x76: {  	_ =	shalt  }
0x77: {  	_ =	shalt  }
0x78: {  	_ =	shalt  }
0x79: {  	_ =	shalt  }
0x7a: {  	_ =	shalt  }
0x7b: {  	_ =	shalt  }
0x7c: {  	_ =	shalt  }
0x7d: {  	_ =	shalt  }
0x7e: {  	_ =	shalt  }
0x7f: {  	_ =	shalt  }
0x80: {  	_ =	shalt  }
0x81: {  	_ =	shalt  }
0x82: {  	_ =	shalt  }
0x83: {  	_ =	shalt  }
0x84: {  	_ =	shalt  }
0x85: {  	_ =	shalt  }
0x86: {  	_ =	shalt  }
0x87: {  	_ =	shalt  }
.Lfunc_end0:
.L_simem_size_0:
called_computation_lowered:
.L_overlay_start_0:
0x88: {  	s2 =	sld [smem:$0x3FD9]  }
0x89: {  	s3 =	sld [smem:$0x3FFE];
	_ =	sdelay $0x1  }
0x8a: {  	s1 =	srdreg.scid  }
0x8b: {  	s0 =	sand.u32 $0x1, s1  }
0x8c: {  	s16 =	sshll.u32 s0, $0xA;
	s2 =	sadd.s32 s3, s2  }
0x8d: {  	s2 =	sadd.s32 s2, s16  }
0x8e: {  	[smem:$0x3FB2] =	sst s2  }
0x8f: {  	_ = 	snop  }
0x90: {  	(tm) =	ssettm $0x1  }
0x91: {  	s17 =	sld [smem:$0x3FFB];
	_ =	sdelay $0x3  }
0x92: {  	_ =	strace s17  }
0x93: {  	s2 =	sld [smem:$0x3FFC];
	_ =	sdelay $0x3  }
0x94: {  	_ =	strace s2  }
0x95: {  	s2 =	sld [smem:$0x3FFD];
	_ =	sdelay $0x3  }
0x96: {  	_ =	strace s2  }
0x97: {  	_ =	strace $0x8FFFFFFF  }
0x98: {  	s18 =	sld [smem:$0x3FDB];
	_ =	sdelay $0x1  }
0x99: {  	s19 =	simm.s32 $_scs_section_size  }
0x9a: {  	s4 =	simm.s32 $_size__tile_overlayer_lowered;
	s5 =	simm.s32 $_tile_overlayer_lowered  }
0x9b: {  	s22 =	simm.s32 $0x1BFF;
	s21 =	sshll.u32 s5, $0x1;
	s2 =	sadd.s32 s19, s18  }
0x9c: {  	s6 =	simm.s32 $0x0;
	s20 =	sshll.u32 s4, $0x1;
	s4 =	sadd.s32 s21, s2  }
0x9d: {  	[timem:s6], [sflag:s22] =	dma.local [hbm:s4], s20  }
0x9e: {  	_ =	swait.ge [sflag:s22], s20  }
0x9f: {  	s3 =	ssub.s32 $0x0, s20;
	[sflag:s22] =	ssyncset.done $0x0  }
0xa0: {  	[sflag:s22] =	ssyncadd.s32 s3;
	_ =	sdelay $0x1  }
0xa1: {  	s23 =	simm.s32 $0x1B8B  }
0xa2: {  	_ =	swait.ge [sflag:s23], $0x1  }
0xa3: {  	[sflag:s23] =	ssyncset.done $0x0  }
0xa4: {  	s25 =	simm.s32 $0x1B8E;
	s24 =	sld [smem:$0x3FFE];
	[sflag:s23] =	ssyncadd.s32 $0xFFFFFFFF  }
0xa5: {  	s26 =	simm.s32 $execute0_lowered;
	[smem:$0x3FD2] =	sst s25  }
0xa6: {  	s4 =	sshll.u32 s26, $0x1;
	_ =	strace $0x80000046;
	[dreg:$0x1] =	wrdreg $0xFFFFFFFF  }
0xa7: {  	s28 =	simm.s32 $_size_execute0_lowered;
	s2 =	sadd.s32 s2, s4;
	[dreg:$0x0] =	wrdreg $0x0  }
0xa8: {  	s4 =	sshll.u32 s28, $0x1;
	[dreg:$0x2] =	wrdreg s2  }
0xa9: {  	[dreg:$0x3] =	wrdreg s4  }
0xaa: {  	[dreg:$0x4] =	wrdreg $0xC0  }
0xab: {  	_ =	task [dreg:s6], $0x5FFFF  }
0xac: {  	[dreg:$0x1] =	wrdreg $0xFFFFFFFF  }
0xad: {  	[dreg:$0x0] =	wrdreg $0x60  }
0xae: {  	[dreg:$0x2] =	wrdreg s24  }
0xaf: {  	[dreg:$0x3] =	wrdreg $0x9  }
0xb0: {  	_ =	task.clear_ibuf [dreg:s6], $0x4FFFF;
	_ =	strace $0x90000046  }
0xb1: {  	s29 =	simm.s32 $0x9;
	_ =	strace $0x80000048  }
0xb2: {  	_ =	swait.ge [sflag:s29], $0x1  }
0xb3: {  	[sflag:s29] =	ssyncadd.s32 $0xFFFFFFFF  }
0xb4: {  	_ =	strace $0x90000048  }
0xb5: {  	_ =	sfence  }
0xb6: {  	s30 =	sld [smem:$0x0];
	_ =	sdelay $0x2  }
0xb7: {  	s31 =	sshll.u32 s1, $0xD;
	s1 =	sshrl.u32 s1, $0x2  }
0xb8: {  	s3 =	sand.u32 $0x4000, s31;
	s1 =	sadd.s32 s1, s30  }
0xb9: {  	s0 =	sor.u32 s3, s0;
	s1 =	sshll.u32 s1, $0x11  }
0xba: {  	s0 =	sor.u32 s1, s0  }
0xbb: {  	s0 =	sadd.s32 $0x8F2B, s0  }
0xbc: {  	[sflag:s0] =	ssyncadd.remote.s32 $0x1  }
0xbd: {  	_ =	sfence.sel $0xFFFF  }
0xbe: {  	[dreg:$0x0] =	wrdreg $0xFFFFFFFF;
	(pc) =	sbr.abs _section_cstart, $3  }
0xbf: {  	[dreg:$0x1] =	wrdreg $0xFFFFFFFF  }
0xc0: {  	_ =	task.clear_ibuf [dreg:s6], $0x2FFFF;
	_ =	strace $0x9FFFFFFF  }
0xc1: {  	(tm) =	ssettm $0x7FFFFFFF  }
tec
execute0_lowered:
.L_overlay_start_1:
0x0: {  	(tag) =	ssettag $0x1  }
0x1: {  	s4 =	rddreg [dreg:$0x0]  }
0x2: {  	s0 =	rddreg [dreg:$0x1];
	s2 =	simm.s32 $0x0;
	s3 =	srdreg.scid  }
0x3: {  	s1 =	stileid.u32;
	s10 =	simm.s32 $0x1080;
	s11 =	simm.s32 $0x1880  }
0x4: {  	s12 =	simm.s32 $0x2080;
	s13 =	simm.s32 $0x2880;
	s14 =	simm.s32 $0x3080  }
0x5: {  	s15 =	simm.s32 $0x3880;
	s16 =	simm.s32 $0x4080;
	s17 =	simm.s32 $0x4880  }
0x6: {  	s18 =	simm.s32 $0x5080;
	s19 =	simm.s32 $0x5880;
	s20 =	simm.s32 $0x6080  }
0x7: {  	s21 =	simm.s32 $0x6880;
	s22 =	simm.s32 $0x7080;
	s23 =	simm.s32 $0x7880  }
0x8: {  	s24 =	simm.s32 $0x1;
	s25 =	simm.s32 $0x0;
	s6 =	smul.u32 $0x900, s1  }
0x9: {  	[smem:$0x7FF] =	sst s2;
	s5 =	sand.u32 $0x1, s3;
	s8 =	smul.u32 $0x12000, s1  }
0xa: {  	s3 =	sadd.s32 $0x4C00, s4;
	s7 =	smul.u32 $0x480, s5;
	s9 =	ssub.s32 $0x2, s5  }
0xb: {  	_ =	strace $0x80000047;
	s5 =	smul.u32 $0x9000, s5;
	s31 =	sshrl.u32 s9, $0x1  }
0xc: {  	s8 =	sadd.s32 s8, s4;
	s6 =	sadd.s32 s7, s6;
	s7 =	ssub.s32 s9, s31  }
0xd: {  	v2 =	vlaneseq.u32;
	s5 =	sadd.s32 s5, s8;
	s8 =	simm.s32 $0x80;
	s6 =	sshrl.u32 s6, $0x3  }
0xe: {  	vm0 =	vmmov $0xffff;
	v1 =	vshrl.u32 v2, $0x3;
	s9 =	simm.s32 $0x880;
	s5 =	sadd.s32 $0x44C00, s5;
	s6 =	sadd.s32 s6, s4  }
0xf: {  	v0 =	vand.u32 $0x7, v2;
	v2 =	vor.u32 $0x8, v2;
	v1 =	vmul.u32 $0x8, v1;
	s4 =	smax.u32 s7, $0x1;
	s7 =	simm.s32 $0x2;
	s6 =	sadd.s32 $0x3A00, s6  }
.LBB2_1:
0x10: {  	s26 =	smov.u32 s5;
	s28 =	simm.s32 $0x0  }
.LBB2_2:
0x11: {  	s29 =	sadd.s32 s28, s6  }
0x12: {  	[tilespmem:s2], [sflag:$0x2] =	stream.linear.gather [hbm4b:s29+s2], $0x80, $0x38;
	[tilespmem:$0x8080] =	vst v63  }
0x13: {  	_ =	swait.ge [sflag:s7], $0x80  }
0x14: {  	[sflag:s7] =	ssyncset.done $0x0  }
0x15: {  	[sflag:s7] =	ssyncadd.s32 $0xFFFFFF80  }
0x16: {  	v3 =	vld [tilespmem:$0x0];
	_ =	sdelay $0x4  }
0x17: {  	v4 =	vshll.u32 v3, $0x1  }
0x18: {  	v3 =	vand.u32 $0x7, v3;
	v4 =	vand.u32 $0xFFFFFFF0, v4  }
0x19: {  	v3 =	vor.u32 v3, v4  }
0x1a: {  	v4 =	vperm.xlane v3, v0;
	_ =	sdelay $0x1  }
0x1b: {  	v3 =	vperm.xlane v3, v2;
	v4 =	vadd.s32 v1, v4;
	_ =	sdelay $0x1  }
0x1c: {  	v3 =	vadd.s32 v1, v3;
	_ =	sdelay $0x2  }
0x1d: {  	[tilespmem:s8], [sflag:$0x1] =	stream.indirect_vreg.gather [hbm4b:s3+s2], $0x80, v4, vm0, $0xb8;
	[tilespmem:$0x8080] =	vst v63  }
0x1e: {  	_ = 	snop  }
0x1f: {  	[tilespmem:s9], [sflag:$0x1] =	stream.indirect_vreg.gather [hbm4b:s3+s2], $0x80, v3, vm0, $0xb8;
	[tilespmem:$0x8080] =	vst v63  }
0x20: {  	v3 =	vld [tilespmem:$0x10];
	_ =	sdelay $0x4  }
0x21: {  	v57 =	vshll.u32 v3, $0x1  }
0x22: {  	v3 =	vand.u32 $0x7, v3;
	v4 =	vand.u32 $0xFFFFFFF0, v57  }
0x23: {  	v3 =	vor.u32 v3, v4  }
0x24: {  	v4 =	vperm.xlane v3, v0;
	_ =	sdelay $0x1  }
0x25: {  	v3 =	vperm.xlane v3, v2;
	v4 =	vadd.s32 v1, v4;
	_ =	sdelay $0x1  }
0x26: {  	v3 =	vadd.s32 v1, v3;
	_ =	sdelay $0x2  }
0x27: {  	[tilespmem:s10], [sflag:$0x1] =	stream.indirect_vreg.gather [hbm4b:s3+s2], $0x80, v4, vm0, $0xb8;
	[tilespmem:$0x8080] =	vst v63  }
0x28: {  	_ = 	snop  }
0x29: {  	[tilespmem:s11], [sflag:$0x1] =	stream.indirect_vreg.gather [hbm4b:s3+s2], $0x80, v3, vm0, $0xb8;
	[tilespmem:$0x8080] =	vst v63  }
0x2a: {  	v3 =	vld [tilespmem:$0x20];
	_ =	sdelay $0x4  }
0x2b: {  	v58 =	vshll.u32 v3, $0x1  }
0x2c: {  	v3 =	vand.u32 $0x7, v3;
	v4 =	vand.u32 $0xFFFFFFF0, v58  }
0x2d: {  	v3 =	vor.u32 v3, v4  }
0x2e: {  	v4 =	vperm.xlane v3, v0;
	_ =	sdelay $0x1  }
0x2f: {  	v3 =	vperm.xlane v3, v2;
	v4 =	vadd.s32 v1, v4;
	_ =	sdelay $0x1  }
0x30: {  	v3 =	vadd.s32 v1, v3;
	_ =	sdelay $0x2  }
0x31: {  	[tilespmem:s12], [sflag:$0x1] =	stream.indirect_vreg.gather [hbm4b:s3+s2], $0x80, v4, vm0, $0xb8;
	[tilespmem:$0x8080] =	vst v63  }
0x32: {  	_ = 	snop  }
0x33: {  	[tilespmem:s13], [sflag:$0x1] =	stream.indirect_vreg.gather [hbm4b:s3+s2], $0x80, v3, vm0, $0xb8;
	[tilespmem:$0x8080] =	vst v63  }
0x34: {  	v3 =	vld [tilespmem:$0x30];
	_ =	sdelay $0x4  }
0x35: {  	v59 =	vshll.u32 v3, $0x1  }
0x36: {  	v3 =	vand.u32 $0x7, v3;
	v4 =	vand.u32 $0xFFFFFFF0, v59  }
0x37: {  	v3 =	vor.u32 v3, v4  }
0x38: {  	v4 =	vperm.xlane v3, v0;
	_ =	sdelay $0x1  }
0x39: {  	v3 =	vperm.xlane v3, v2;
	v4 =	vadd.s32 v1, v4;
	_ =	sdelay $0x1  }
0x3a: {  	v3 =	vadd.s32 v1, v3;
	_ =	sdelay $0x2  }
0x3b: {  	[tilespmem:s14], [sflag:$0x1] =	stream.indirect_vreg.gather [hbm4b:s3+s2], $0x80, v4, vm0, $0xb8;
	[tilespmem:$0x8080] =	vst v63  }
0x3c: {  	_ = 	snop  }
0x3d: {  	[tilespmem:s15], [sflag:$0x1] =	stream.indirect_vreg.gather [hbm4b:s3+s2], $0x80, v3, vm0, $0xb8;
	[tilespmem:$0x8080] =	vst v63  }
0x3e: {  	v3 =	vld [tilespmem:$0x40];
	_ =	sdelay $0x4  }
0x3f: {  	v60 =	vshll.u32 v3, $0x1  }
0x40: {  	v3 =	vand.u32 $0x7, v3;
	v4 =	vand.u32 $0xFFFFFFF0, v60  }
0x41: {  	v3 =	vor.u32 v3, v4  }
0x42: {  	v4 =	vperm.xlane v3, v0;
	_ =	sdelay $0x1  }
0x43: {  	v3 =	vperm.xlane v3, v2;
	v4 =	vadd.s32 v1, v4;
	_ =	sdelay $0x1  }
0x44: {  	v3 =	vadd.s32 v1, v3;
	_ =	sdelay $0x2  }
0x45: {  	[tilespmem:s16], [sflag:$0x1] =	stream.indirect_vreg.gather [hbm4b:s3+s2], $0x80, v4, vm0, $0xb8;
	[tilespmem:$0x8080] =	vst v63  }
0x46: {  	_ = 	snop  }
0x47: {  	[tilespmem:s17], [sflag:$0x1] =	stream.indirect_vreg.gather [hbm4b:s3+s2], $0x80, v3, vm0, $0xb8;
	[tilespmem:$0x8080] =	vst v63  }
0x48: {  	v3 =	vld [tilespmem:$0x50];
	_ =	sdelay $0x4  }
0x49: {  	v61 =	vshll.u32 v3, $0x1  }
0x4a: {  	v3 =	vand.u32 $0x7, v3;
	v4 =	vand.u32 $0xFFFFFFF0, v61  }
0x4b: {  	v3 =	vor.u32 v3, v4  }
0x4c: {  	v4 =	vperm.xlane v3, v0;
	_ =	sdelay $0x1  }
0x4d: {  	v3 =	vperm.xlane v3, v2;
	v4 =	vadd.s32 v1, v4;
	_ =	sdelay $0x1  }
0x4e: {  	v3 =	vadd.s32 v1, v3;
	_ =	sdelay $0x2  }
0x4f: {  	[tilespmem:s18], [sflag:$0x1] =	stream.indirect_vreg.gather [hbm4b:s3+s2], $0x80, v4, vm0, $0xb8;
	[tilespmem:$0x8080] =	vst v63  }
0x50: {  	_ = 	snop  }
0x51: {  	[tilespmem:s19], [sflag:$0x1] =	stream.indirect_vreg.gather [hbm4b:s3+s2], $0x80, v3, vm0, $0xb8;
	[tilespmem:$0x8080] =	vst v63  }
0x52: {  	v3 =	vld [tilespmem:$0x60];
	_ =	sdelay $0x4  }
0x53: {  	v62 =	vshll.u32 v3, $0x1  }
0x54: {  	v3 =	vand.u32 $0x7, v3;
	v4 =	vand.u32 $0xFFFFFFF0, v62  }
0x55: {  	v3 =	vor.u32 v3, v4  }
0x56: {  	v4 =	vperm.xlane v3, v0;
	_ =	sdelay $0x1  }
0x57: {  	v3 =	vperm.xlane v3, v2;
	v4 =	vadd.s32 v1, v4;
	_ =	sdelay $0x1  }
0x58: {  	v3 =	vadd.s32 v1, v3;
	_ =	sdelay $0x2  }
0x59: {  	[tilespmem:s20], [sflag:$0x1] =	stream.indirect_vreg.gather [hbm4b:s3+s2], $0x80, v4, vm0, $0xb8;
	[tilespmem:$0x8080] =	vst v63  }
0x5a: {  	_ = 	snop  }
0x5b: {  	[tilespmem:s21], [sflag:$0x1] =	stream.indirect_vreg.gather [hbm4b:s3+s2], $0x80, v3, vm0, $0xb8;
	[tilespmem:$0x8080] =	vst v63  }
0x5c: {  	v3 =	vld [tilespmem:$0x70];
	_ =	sdelay $0x4  }
0x5d: {  	v63 =	vshll.u32 v3, $0x1  }
0x5e: {  	v3 =	vand.u32 $0x7, v3;
	v4 =	vand.u32 $0xFFFFFFF0, v63  }
0x5f: {  	v3 =	vor.u32 v3, v4  }
0x60: {  	v4 =	vperm.xlane v3, v0;
	_ =	sdelay $0x1  }
0x61: {  	v3 =	vperm.xlane v3, v2;
	v4 =	vadd.s32 v1, v4;
	_ =	sdelay $0x1  }
0x62: {  	v3 =	vadd.s32 v1, v3;
	_ =	sdelay $0x2  }
0x63: {  	[tilespmem:s22], [sflag:$0x1] =	stream.indirect_vreg.gather [hbm4b:s3+s2], $0x80, v4, vm0, $0xb8;
	[tilespmem:$0x8080] =	vst v63  }
0x64: {  	_ = 	snop  }
0x65: {  	[tilespmem:s23], [sflag:$0x1] =	stream.indirect_vreg.gather [hbm4b:s3+s2], $0x80, v3, vm0, $0xb8;
	[tilespmem:$0x8080] =	vst v63  }
0x66: {  	_ =	swait.ge [sflag:s24], $0x8000  }
0x67: {  	p0 =	sne.s32 s28, $0x80;
	[sflag:s24] =	ssyncset.done $0x0  }
.Ltmp0:
0x68: {  	[sflag:s24] =	ssyncadd.s32 $0xFFFF8000;
	(pc) =	sbr.rel @p0 .LBB2_2-.Ltmp0, $4  }
0x69: {  	[hbm4b:s26+s2] =	stream.linear.scatter [tilespmem:s8], [sflag:$0x2], $0x8000, $0x38;
	[tilespmem:$0x8080] =	vst v63  }
0x6a: {  	_ =	swait.ge [sflag:s7], $0x8000  }
0x6b: {  	[sflag:s7] =	ssyncset.done $0x0  }
0x6c: {  	s28 =	sadd.s32 $0x10, s28;
	s26 =	sadd.s32 $0x1000, s26;
	[sflag:s7] =	ssyncadd.s32 $0xFFFF8000  }
0x6d: {  	s25 =	sadd.s32 $0x1, s25  }
0x6e: {  	p0 =	sne.s32 s25, s4  }
.Ltmp1:
0x6f: {  	_ = 	snop;
	(pc) =	sbr.rel @p0 .LBB2_1-.Ltmp1, $1  }
0x70: {  	_ =	sdelay $0x3  }
0x71: {  	_ =	sfence.sel $0x180000  }
0x72: {  	[bflag:$0x0] =	sbarrier.arrive $0xFFFF  }
0x73: {  	p0 =	sne.s32 s1, $0x0;
	_ =	strace $0x90000047  }
0x74: {  	s0 =	sadd.s32 @!p0 $0x100000, s0;
	[bflag:$0x2] =	sbarrier.arrive $0xFFFF  }
0x75: {  	[sflag:s0] =	ssyncadd.tile.s32 @!p0 $0x1;
	_ =	shalt  }
.Lfunc_end2:
_tile_overlayer_lowered:
.L_overlay_start_2:
0x76: {  	(tag) =	ssettag $0x2  }
0x77: {  	s0 =	rddreg [dreg:$0x0];
	s2 =	stileid.u32  }
0x78: {  	s1 =	rddreg [dreg:$0x1];
	p0 =	sne.s32 s2, $0x0  }
0x79: {  	s3 =	rddreg [dreg:$0x2];
	[bflag:$0x3] =	sbarrier.arrive $0xFFFF;
	s2 =	simm.s32 @!p0 $0x1C02  }
0x7a: {  	[timem:s3], [sflag:s2] =	dma.local @!p0 [hbm:s0], s1  }
0x7b: {  	s0 =	simm.s32 @!p0 $0x2  }
0x7c: {  	_ =	swait.ge @!p0 [sflag:s0], s1  }
0x7d: {  	s1 =	ssub.s32 @!p0 $0x0, s1;
	[sflag:s0] =	ssyncset.done @!p0 $0x0  }
0x7e: {  	[sflag:s0] =	ssyncadd.s32 @!p0 s1  }
0x7f: {  	[bflag:$0x3] =	sbarrier.arrive $0xFFFF  }
0x80: {  	_ =	shalt  }

</sc_bundles>
